<compile_context>
chip_gen: v7x
topology: tpu7x:2x2x1
jax: 0.10.2.dev20260603
libtpu: 0.0.44.dev20260713+nightly
codegen_flags: <defaults>
</compile_context>

<pallas_src>
import functools

import jax
import jax.numpy as jnp
from jax import lax
from jax.experimental import pallas as pl
from jax.experimental.pallas import tpu as pltpu
from jax.experimental.pallas import tpu_sc as plsc

_N = 128
_M = 100000
_T = 16384

_NW = 32
_BPW = _T // _NW
_CROWS = 128
_NCH = _BPW // _CROWS
_NV = _N // 16


_CH = 4000
_NCHUNK = _M // _CH
_NBUF = 5


def _lse_body(at_hbm, lse_ref, bufs, sems):
    def _start(c, s):
        pltpu.make_async_copy(
            at_hbm.at[pl.ds(c * _CH, _CH)], bufs.at[s], sems.at[s]
        ).start()

    for s in range(_NBUF):
        _start(s, s)

    def step(c, acc):
        s = c % _NBUF
        pltpu.make_async_copy(
            at_hbm.at[pl.ds(c * _CH, _CH)], bufs.at[s], sems.at[s]
        ).wait()
        acc = acc + jnp.sum(
            jnp.exp(bufs[s]).reshape(_CH // 32, 32, _N), axis=0
        )

        @pl.when(c + _NBUF < _NCHUNK)
        def _next():
            _start(c + _NBUF, s)

        return acc

    acc = lax.fori_loop(
        0, _NCHUNK, step, jnp.zeros((32, _N), jnp.float32)
    )
    lse_ref[...] = jnp.log(jnp.sum(acc, axis=0, keepdims=True))


def _lse_pass(at):
    return pl.pallas_call(
        _lse_body,
        in_specs=[pl.BlockSpec(memory_space=pl.ANY)],
        out_specs=pl.BlockSpec(memory_space=pltpu.VMEM),
        out_shape=jax.ShapeDtypeStruct((1, _N), jnp.float32),
        scratch_shapes=[
            pltpu.VMEM((_NBUF, _CH, _N), jnp.float32),
            pltpu.SemaphoreType.DMA((_NBUF,)),
        ],
    )(at)


@functools.cache
def _make_sc_gather():
    mesh = plsc.VectorSubcoreMesh(core_axis_name="c", subcore_axis_name="s")
    return pl.kernel(
        _sc_gather_body,
        mesh=mesh,
        out_type=jax.ShapeDtypeStruct((_T, _N), jnp.float32),
        scratch_types=[
            pltpu.VMEM((_BPW,), jnp.int32),
            pltpu.VMEM((_BPW, _N), jnp.float32),
            pltpu.VMEM((1, _N), jnp.float32),
            pltpu.SemaphoreType.DMA((_NCH,)),
            pltpu.SemaphoreType.DMA,
        ],
        compiler_params=pltpu.CompilerParams(use_tc_tiling_on_sc=True),
    )


def _sc_gather_body(at_hbm, obs_hbm, lse_hbm, out_hbm, idx_v, rows_v, lse_v,
                    gsems, osem):
    wid = lax.axis_index("s") * 2 + lax.axis_index("c")
    base = wid * _BPW
    pltpu.sync_copy(obs_hbm.at[pl.ds(base, _BPW)], idx_v)
    gathers = [
        pltpu.async_copy(
            at_hbm.at[idx_v.at[pl.ds(j * _CROWS, _CROWS)]],
            rows_v.at[pl.ds(j * _CROWS, _CROWS)],
            gsems.at[j],
        )
        for j in range(_NCH)
    ]
    pltpu.sync_copy(lse_hbm, lse_v)
    lvs = [lse_v[0, pl.ds(16 * j, 16)] for j in range(_NV)]

    outs = []
    for j in range(_NCH):
        gathers[j].wait()

        def body(i, carry, _j=j):
            for k in range(_NV):
                sl = pl.ds(16 * k, 16)
                rows_v[_j * _CROWS + i, sl] = (
                    rows_v[_j * _CROWS + i, sl] - lvs[k]
                )
            return carry

        lax.fori_loop(0, _CROWS, body, 0)
        outs.append(
            pltpu.async_copy(
                rows_v.at[pl.ds(j * _CROWS, _CROWS)],
                out_hbm.at[pl.ds(base + j * _CROWS, _CROWS)],
                osem,
            )
        )
    for c in outs:
        c.wait()


def kernel(obervation_raw, unnormalized_emission_matrix):
    obs = obervation_raw.astype(jnp.int32)
    at = unnormalized_emission_matrix.T
    lse2 = _lse_pass(at)
    return _make_sc_gather()(at, obs, lse2)

# --- scband reference (transcript-rebuilt; emitter-appended) ---
"""Pipeline reference for scband-emission-model-42846593744944 (READ-ONLY COPY).

The authoritative reference and input builder live on the scoring server;
editing this copy changes nothing except your own understanding.
"""

import jax, jax.numpy as jnp
import numpy as np

N = 128
M = 100000
T = 16384

def setup_inputs(seed: int = 0) -> dict:
    key = jax.random.key(seed)
    k1, k2 = jax.random.split(key)
    obervation_raw = jax.random.randint(k1, (T,), 0, M, dtype=jnp.int64)
    unnormalized_emission_matrix = jax.random.normal(k2, (N, M), dtype=jnp.float32)
    return {"obervation_raw": obervation_raw, "unnormalized_emission_matrix": unnormalized_emission_matrix}

def reference(obervation_raw, unnormalized_emission_matrix):
    # log_softmax over the observation (vocab) dimension for each state row
    log_emission_matrix = jax.nn.log_softmax(unnormalized_emission_matrix, axis=1)
    # gather columns by observation index, then transpose -> [T, N]
    out = jnp.take(log_emission_matrix, obervation_raw, axis=1).T
    return out

if __name__ == "__main__":
    import jax
    _d = setup_inputs()
    print(jax.jit(kernel)(*tuple(_d.values())))

</pallas_src>

<mosaic_0001>
#map = affine_map<(d0, d1) -> (0, 0)>
#map1 = affine_map<(d0, d1) -> (0)>
module attributes {stable_mosaic.version = 14 : i64} {
  func.func @_sc_gather_body(%arg0: i32, %arg1: i32, %arg2: memref<100000x128xf32, #tpu.memory_space<hbm>>, %arg3: memref<16384xi32, #tpu.memory_space<hbm>>, %arg4: memref<1x128xf32, #tpu.memory_space<hbm>>, %arg5: memref<16384x128xf32, #tpu.memory_space<hbm>>, %arg6: memref<512xi32, #tpu.memory_space<vmem>>, %arg7: memref<512x128xf32, #tpu.memory_space<vmem>>, %arg8: memref<1x128xf32, #tpu.memory_space<vmem>>, %arg9: memref<4x!tpu.dma_semaphore, #tpu.memory_space<semaphore_mem>>, %arg10: memref<!tpu.dma_semaphore, #tpu.memory_space<semaphore_mem>>) attributes {dimension_semantics = [#tpu.dimension_semantics<core_parallel>, #tpu.dimension_semantics<subcore_parallel>], iteration_bounds = array<i64: 2, 16>, scalar_prefetch = 0 : i64, scratch_operands = 5 : i64, tpu.core_type = #tpu.core_type<sc_vector_subcore>, window_params = [{transform_indices = #map}, {transform_indices = #map1}, {transform_indices = #map}, {transform_indices = #map}]} {
    %mul3A = arith.constant 2 : i32
    %mul3A_0 = arith.muli %arg1, %mul3A : i32
    %add3A = arith.addi %mul3A_0, %arg0 : i32
    %mul3A_1 = arith.constant 512 : i32
    %mul3A_2 = arith.muli %add3A, %mul3A_1 : i32
    "tpu.region"() ({
      %run_scoped3A = tpu.sem_alloc : memref<!tpu.dma_semaphore, #tpu.memory_space<semaphore_mem>>
      %dma_start3A_239 = tpu.memref_slice %arg3[%mul3A_2] : memref<16384xi32, #tpu.memory_space<hbm>> -> memref<512xi32, #tpu.memory_space<hbm>>
      %dma_start3A_240 = tpu.memref_slice %arg3[%mul3A_2] : memref<16384xi32, #tpu.memory_space<hbm>> -> memref<512xi32, #tpu.memory_space<hbm>>
      tpu.enqueue_dma source(%dma_start3A_240 : memref<512xi32, #tpu.memory_space<hbm>>) target(%arg6 : memref<512xi32, #tpu.memory_space<vmem>>) target_semaphore(%run_scoped3A : memref<!tpu.dma_semaphore, #tpu.memory_space<semaphore_mem>>)
      %dma_wait3A_241 = tpu.memref_slice %arg3[%mul3A_2] : memref<16384xi32, #tpu.memory_space<hbm>> -> memref<512xi32, #tpu.memory_space<hbm>>
      %dma_wait3A_242 = tpu.memref_slice %arg3[%mul3A_2] : memref<16384xi32, #tpu.memory_space<hbm>> -> memref<512xi32, #tpu.memory_space<hbm>>
      tpu.wait_dma2 semaphore(%run_scoped3A : memref<!tpu.dma_semaphore, #tpu.memory_space<semaphore_mem>>) src(%dma_wait3A_242 : memref<512xi32, #tpu.memory_space<hbm>>) dst(%arg6 : memref<512xi32, #tpu.memory_space<vmem>>)
      tpu.yield
    }) : () -> ()
    %dma_start3A = arith.constant 0 : i32
    %dma_start3A_3 = arith.constant 0 : i32
    %dma_start3A_4 = arith.constant 0 : i32
    %dma_start3A_5 = tpu.memref_slice %arg7[%dma_start3A_3, %dma_start3A_4] : memref<512x128xf32, #tpu.memory_space<vmem>> -> memref<128x128xf32, #tpu.memory_space<vmem>>
    %dma_start3A_6 = arith.constant 0 : i32
    %dma_start3A_7 = tpu.memref_slice %arg6[%dma_start3A_6] : memref<512xi32, #tpu.memory_space<vmem>> -> memref<128xi32, #tpu.memory_space<vmem>>
    %dma_start3A_8 = arith.constant 0 : i32
    %dma_start3A_9 = arith.constant 0 : i32
    %dma_start3A_10 = tpu.memref_slice %arg2[%dma_start3A_8, %dma_start3A_9] : memref<100000x128xf32, #tpu.memory_space<hbm>> -> memref<100000x128xf32, #tpu.memory_space<hbm>>
    %dma_start3A_11 = tpu.memref_slice %arg9[%dma_start3A] : memref<4x!tpu.dma_semaphore, #tpu.memory_space<semaphore_mem>> -> memref<1x!tpu.dma_semaphore, #tpu.memory_space<semaphore_mem>>
    %dma_start3A_12 = tpu.memref_squeeze %dma_start3A_11 : memref<1x!tpu.dma_semaphore, #tpu.memory_space<semaphore_mem>> -> memref<!tpu.dma_semaphore, #tpu.memory_space<semaphore_mem>>
    tpu.enqueue_indirect_dma source(%dma_start3A_10 : memref<100000x128xf32, #tpu.memory_space<hbm>>) target(%dma_start3A_5 : memref<128x128xf32, #tpu.memory_space<vmem>>) offsets(%dma_start3A_7 : memref<128xi32, #tpu.memory_space<vmem>>) semaphore(%dma_start3A_12 : memref<!tpu.dma_semaphore, #tpu.memory_space<semaphore_mem>>)
    %dma_start3A_13 = arith.constant 1 : i32
    %dma_start3A_14 = arith.constant 128 : i32
    %dma_start3A_15 = arith.constant 0 : i32
    %dma_start3A_16 = tpu.memref_slice %arg7[%dma_start3A_14, %dma_start3A_15] : memref<512x128xf32, #tpu.memory_space<vmem>> -> memref<128x128xf32, #tpu.memory_space<vmem>>
    %dma_start3A_17 = arith.constant 128 : i32
    %dma_start3A_18 = tpu.memref_slice %arg6[%dma_start3A_17] : memref<512xi32, #tpu.memory_space<vmem>> -> memref<128xi32, #tpu.memory_space<vmem>>
    %dma_start3A_19 = arith.constant 0 : i32
    %dma_start3A_20 = arith.constant 0 : i32
    %dma_start3A_21 = tpu.memref_slice %arg2[%dma_start3A_19, %dma_start3A_20] : memref<100000x128xf32, #tpu.memory_space<hbm>> -> memref<100000x128xf32, #tpu.memory_space<hbm>>
    %dma_start3A_22 = tpu.memref_slice %arg9[%dma_start3A_13] : memref<4x!tpu.dma_semaphore, #tpu.memory_space<semaphore_mem>> -> memref<1x!tpu.dma_semaphore, #tpu.memory_space<semaphore_mem>>
    %dma_start3A_23 = tpu.memref_squeeze %dma_start3A_22 : memref<1x!tpu.dma_semaphore, #tpu.memory_space<semaphore_mem>> -> memref<!tpu.dma_semaphore, #tpu.memory_space<semaphore_mem>>
    tpu.enqueue_indirect_dma source(%dma_start3A_21 : memref<100000x128xf32, #tpu.memory_space<hbm>>) target(%dma_start3A_16 : memref<128x128xf32, #tpu.memory_space<vmem>>) offsets(%dma_start3A_18 : memref<128xi32, #tpu.memory_space<vmem>>) semaphore(%dma_start3A_23 : memref<!tpu.dma_semaphore, #tpu.memory_space<semaphore_mem>>)
    %dma_start3A_24 = arith.constant 2 : i32
    %dma_start3A_25 = arith.constant 256 : i32
    %dma_start3A_26 = arith.constant 0 : i32
    %dma_start3A_27 = tpu.memref_slice %arg7[%dma_start3A_25, %dma_start3A_26] : memref<512x128xf32, #tpu.memory_space<vmem>> -> memref<128x128xf32, #tpu.memory_space<vmem>>
    %dma_start3A_28 = arith.constant 256 : i32
    %dma_start3A_29 = tpu.memref_slice %arg6[%dma_start3A_28] : memref<512xi32, #tpu.memory_space<vmem>> -> memref<128xi32, #tpu.memory_space<vmem>>
    %dma_start3A_30 = arith.constant 0 : i32
    %dma_start3A_31 = arith.constant 0 : i32
    %dma_start3A_32 = tpu.memref_slice %arg2[%dma_start3A_30, %dma_start3A_31] : memref<100000x128xf32, #tpu.memory_space<hbm>> -> memref<100000x128xf32, #tpu.memory_space<hbm>>
    %dma_start3A_33 = tpu.memref_slice %arg9[%dma_start3A_24] : memref<4x!tpu.dma_semaphore, #tpu.memory_space<semaphore_mem>> -> memref<1x!tpu.dma_semaphore, #tpu.memory_space<semaphore_mem>>
    %dma_start3A_34 = tpu.memref_squeeze %dma_start3A_33 : memref<1x!tpu.dma_semaphore, #tpu.memory_space<semaphore_mem>> -> memref<!tpu.dma_semaphore, #tpu.memory_space<semaphore_mem>>
    tpu.enqueue_indirect_dma source(%dma_start3A_32 : memref<100000x128xf32, #tpu.memory_space<hbm>>) target(%dma_start3A_27 : memref<128x128xf32, #tpu.memory_space<vmem>>) offsets(%dma_start3A_29 : memref<128xi32, #tpu.memory_space<vmem>>) semaphore(%dma_start3A_34 : memref<!tpu.dma_semaphore, #tpu.memory_space<semaphore_mem>>)
    %dma_start3A_35 = arith.constant 3 : i32
    %dma_start3A_36 = arith.constant 384 : i32
    %dma_start3A_37 = arith.constant 0 : i32
    %dma_start3A_38 = tpu.memref_slice %arg7[%dma_start3A_36, %dma_start3A_37] : memref<512x128xf32, #tpu.memory_space<vmem>> -> memref<128x128xf32, #tpu.memory_space<vmem>>
    %dma_start3A_39 = arith.constant 384 : i32
    %dma_start3A_40 = tpu.memref_slice %arg6[%dma_start3A_39] : memref<512xi32, #tpu.memory_space<vmem>> -> memref<128xi32, #tpu.memory_space<vmem>>
    %dma_start3A_41 = arith.constant 0 : i32
    %dma_start3A_42 = arith.constant 0 : i32
    %dma_start3A_43 = tpu.memref_slice %arg2[%dma_start3A_41, %dma_start3A_42] : memref<100000x128xf32, #tpu.memory_space<hbm>> -> memref<100000x128xf32, #tpu.memory_space<hbm>>
    %dma_start3A_44 = tpu.memref_slice %arg9[%dma_start3A_35] : memref<4x!tpu.dma_semaphore, #tpu.memory_space<semaphore_mem>> -> memref<1x!tpu.dma_semaphore, #tpu.memory_space<semaphore_mem>>
    %dma_start3A_45 = tpu.memref_squeeze %dma_start3A_44 : memref<1x!tpu.dma_semaphore, #tpu.memory_space<semaphore_mem>> -> memref<!tpu.dma_semaphore, #tpu.memory_space<semaphore_mem>>
    tpu.enqueue_indirect_dma source(%dma_start3A_43 : memref<100000x128xf32, #tpu.memory_space<hbm>>) target(%dma_start3A_38 : memref<128x128xf32, #tpu.memory_space<vmem>>) offsets(%dma_start3A_40 : memref<128xi32, #tpu.memory_space<vmem>>) semaphore(%dma_start3A_45 : memref<!tpu.dma_semaphore, #tpu.memory_space<semaphore_mem>>)
    "tpu.region"() ({
      %run_scoped3A = tpu.sem_alloc : memref<!tpu.dma_semaphore, #tpu.memory_space<semaphore_mem>>
      tpu.enqueue_dma source(%arg4 : memref<1x128xf32, #tpu.memory_space<hbm>>) target(%arg8 : memref<1x128xf32, #tpu.memory_space<vmem>>) target_semaphore(%run_scoped3A : memref<!tpu.dma_semaphore, #tpu.memory_space<semaphore_mem>>)
      tpu.wait_dma2 semaphore(%run_scoped3A : memref<!tpu.dma_semaphore, #tpu.memory_space<semaphore_mem>>) src(%arg4 : memref<1x128xf32, #tpu.memory_space<hbm>>) dst(%arg8 : memref<1x128xf32, #tpu.memory_space<vmem>>)
      tpu.yield
    }) : () -> ()
    %get3A = arith.constant 0 : i32
    %get3A_46 = arith.index_cast %get3A : i32 to index
    %get3A_47 = arith.constant 0 : index
    %get3A_48 = tpu.vector_load %arg8[%get3A_46, %get3A_47] {strides = array<i32>} : memref<1x128xf32, #tpu.memory_space<vmem>>, vector<1x16xf32>,
    %get3A_49 = vector.shape_cast %get3A_48 : vector<1x16xf32> to vector<16xf32>
    %get3A_50 = arith.constant 0 : i32
    %get3A_51 = arith.index_cast %get3A_50 : i32 to index
    %get3A_52 = arith.constant 16 : index
    %get3A_53 = tpu.vector_load %arg8[%get3A_51, %get3A_52] {strides = array<i32>} : memref<1x128xf32, #tpu.memory_space<vmem>>, vector<1x16xf32>,
    %get3A_54 = vector.shape_cast %get3A_53 : vector<1x16xf32> to vector<16xf32>
    %get3A_55 = arith.constant 0 : i32
    %get3A_56 = arith.index_cast %get3A_55 : i32 to index
    %get3A_57 = arith.constant 32 : index
    %get3A_58 = tpu.vector_load %arg8[%get3A_56, %get3A_57] {strides = array<i32>} : memref<1x128xf32, #tpu.memory_space<vmem>>, vector<1x16xf32>,
    %get3A_59 = vector.shape_cast %get3A_58 : vector<1x16xf32> to vector<16xf32>
    %get3A_60 = arith.constant 0 : i32
    %get3A_61 = arith.index_cast %get3A_60 : i32 to index
    %get3A_62 = arith.constant 48 : index
    %get3A_63 = tpu.vector_load %arg8[%get3A_61, %get3A_62] {strides = array<i32>} : memref<1x128xf32, #tpu.memory_space<vmem>>, vector<1x16xf32>,
    %get3A_64 = vector.shape_cast %get3A_63 : vector<1x16xf32> to vector<16xf32>
    %get3A_65 = arith.constant 0 : i32
    %get3A_66 = arith.index_cast %get3A_65 : i32 to index
    %get3A_67 = arith.constant 64 : index
    %get3A_68 = tpu.vector_load %arg8[%get3A_66, %get3A_67] {strides = array<i32>} : memref<1x128xf32, #tpu.memory_space<vmem>>, vector<1x16xf32>,
    %get3A_69 = vector.shape_cast %get3A_68 : vector<1x16xf32> to vector<16xf32>
    %get3A_70 = arith.constant 0 : i32
    %get3A_71 = arith.index_cast %get3A_70 : i32 to index
    %get3A_72 = arith.constant 80 : index
    %get3A_73 = tpu.vector_load %arg8[%get3A_71, %get3A_72] {strides = array<i32>} : memref<1x128xf32, #tpu.memory_space<vmem>>, vector<1x16xf32>,
    %get3A_74 = vector.shape_cast %get3A_73 : vector<1x16xf32> to vector<16xf32>
    %get3A_75 = arith.constant 0 : i32
    %get3A_76 = arith.index_cast %get3A_75 : i32 to index
    %get3A_77 = arith.constant 96 : index
    %get3A_78 = tpu.vector_load %arg8[%get3A_76, %get3A_77] {strides = array<i32>} : memref<1x128xf32, #tpu.memory_space<vmem>>, vector<1x16xf32>,
    %get3A_79 = vector.shape_cast %get3A_78 : vector<1x16xf32> to vector<16xf32>
    %get3A_80 = arith.constant 0 : i32
    %get3A_81 = arith.index_cast %get3A_80 : i32 to index
    %get3A_82 = arith.constant 112 : index
    %get3A_83 = tpu.vector_load %arg8[%get3A_81, %get3A_82] {strides = array<i32>} : memref<1x128xf32, #tpu.memory_space<vmem>>, vector<1x16xf32>,
    %get3A_84 = vector.shape_cast %get3A_83 : vector<1x16xf32> to vector<16xf32>
    %dma_wait3A = arith.constant 0 : i32
    %dma_wait3A_85 = arith.constant 0 : i32
    %dma_wait3A_86 = arith.constant 0 : i32
    %dma_wait3A_87 = tpu.memref_slice %arg7[%dma_wait3A_85, %dma_wait3A_86] : memref<512x128xf32, #tpu.memory_space<vmem>> -> memref<128x128xf32, #tpu.memory_space<vmem>>
    %dma_wait3A_88 = arith.constant 0 : i32
    %dma_wait3A_89 = tpu.memref_slice %arg6[%dma_wait3A_88] : memref<512xi32, #tpu.memory_space<vmem>> -> memref<128xi32, #tpu.memory_space<vmem>>
    %dma_wait3A_90 = arith.constant 0 : i32
    %dma_wait3A_91 = arith.constant 0 : i32
    %dma_wait3A_92 = tpu.memref_slice %arg2[%dma_wait3A_90, %dma_wait3A_91] : memref<100000x128xf32, #tpu.memory_space<hbm>> -> memref<100000x128xf32, #tpu.memory_space<hbm>>
    %dma_wait3A_93 = tpu.memref_slice %arg9[%dma_wait3A] : memref<4x!tpu.dma_semaphore, #tpu.memory_space<semaphore_mem>> -> memref<1x!tpu.dma_semaphore, #tpu.memory_space<semaphore_mem>>
    %dma_wait3A_94 = tpu.memref_squeeze %dma_wait3A_93 : memref<1x!tpu.dma_semaphore, #tpu.memory_space<semaphore_mem>> -> memref<!tpu.dma_semaphore, #tpu.memory_space<semaphore_mem>>
    tpu.wait_indirect_dma semaphore(%dma_wait3A_94 : memref<!tpu.dma_semaphore, #tpu.memory_space<semaphore_mem>>) src(%dma_wait3A_92 : memref<100000x128xf32, #tpu.memory_space<hbm>>) dst(%dma_wait3A_87 : memref<128x128xf32, #tpu.memory_space<vmem>>)
    %scan3A = arith.constant 0 : i32
    %scan3A_95 = arith.constant 0 : i32
    %scan3A_96 = arith.constant 128 : i32
    %scan3A_97 = arith.addi %scan3A_95, %scan3A_96 : i32
    %scan3A_98 = arith.constant 1 : i32
    scf.for %scan3A_239 = %scan3A_95 to %scan3A_97 step %scan3A_98  : i32 {
      %add3A_240 = arith.constant 0 : i32
      %add3A_241 = arith.addi %add3A_240, %scan3A_239 : i32
      %get3A_242 = arith.index_cast %add3A_241 : i32 to index
      %get3A_243 = arith.constant 0 : index
      %get3A_244 = tpu.vector_load %arg7[%get3A_242, %get3A_243] {strides = array<i32>} : memref<512x128xf32, #tpu.memory_space<vmem>>, vector<1x16xf32>,
      %get3A_245 = vector.shape_cast %get3A_244 : vector<1x16xf32> to vector<16xf32>
      %sub3A = arith.subf %get3A_245, %get3A_49 : vector<16xf32>
      %add3A_246 = arith.constant 0 : i32
      %add3A_247 = arith.addi %add3A_246, %scan3A_239 : i32
      %swap3A = arith.index_cast %add3A_247 : i32 to index
      %swap3A_248 = arith.constant 0 : index
      %swap3A_249 = tpu.vector_load %arg7[%swap3A, %swap3A_248] {strides = array<i32>} : memref<512x128xf32, #tpu.memory_space<vmem>>, vector<1x16xf32>,
      %swap3A_250 = vector.shape_cast %swap3A_249 : vector<1x16xf32> to vector<16xf32>
      %swap3A_251 = vector.shape_cast %sub3A : vector<16xf32> to vector<1x16xf32>
      tpu.vector_store %arg7[%swap3A, %swap3A_248], %swap3A_251 {strides = array<i32>} : memref<512x128xf32, #tpu.memory_space<vmem>>, vector<1x16xf32>,
      %add3A_252 = arith.constant 0 : i32
      %add3A_253 = arith.addi %add3A_252, %scan3A_239 : i32
      %get3A_254 = arith.index_cast %add3A_253 : i32 to index
      %get3A_255 = arith.constant 16 : index
      %get3A_256 = tpu.vector_load %arg7[%get3A_254, %get3A_255] {strides = array<i32>} : memref<512x128xf32, #tpu.memory_space<vmem>>, vector<1x16xf32>,
      %get3A_257 = vector.shape_cast %get3A_256 : vector<1x16xf32> to vector<16xf32>
      %sub3A_258 = arith.subf %get3A_257, %get3A_54 : vector<16xf32>
      %add3A_259 = arith.constant 0 : i32
      %add3A_260 = arith.addi %add3A_259, %scan3A_239 : i32
      %swap3A_261 = arith.index_cast %add3A_260 : i32 to index
      %swap3A_262 = arith.constant 16 : index
      %swap3A_263 = tpu.vector_load %arg7[%swap3A_261, %swap3A_262] {strides = array<i32>} : memref<512x128xf32, #tpu.memory_space<vmem>>, vector<1x16xf32>,
      %swap3A_264 = vector.shape_cast %swap3A_263 : vector<1x16xf32> to vector<16xf32>
      %swap3A_265 = vector.shape_cast %sub3A_258 : vector<16xf32> to vector<1x16xf32>
      tpu.vector_store %arg7[%swap3A_261, %swap3A_262], %swap3A_265 {strides = array<i32>} : memref<512x128xf32, #tpu.memory_space<vmem>>, vector<1x16xf32>,
      %add3A_266 = arith.constant 0 : i32
      %add3A_267 = arith.addi %add3A_266, %scan3A_239 : i32
      %get3A_268 = arith.index_cast %add3A_267 : i32 to index
      %get3A_269 = arith.constant 32 : index
      %get3A_270 = tpu.vector_load %arg7[%get3A_268, %get3A_269] {strides = array<i32>} : memref<512x128xf32, #tpu.memory_space<vmem>>, vector<1x16xf32>,
      %get3A_271 = vector.shape_cast %get3A_270 : vector<1x16xf32> to vector<16xf32>
      %sub3A_272 = arith.subf %get3A_271, %get3A_59 : vector<16xf32>
      %add3A_273 = arith.constant 0 : i32
      %add3A_274 = arith.addi %add3A_273, %scan3A_239 : i32
      %swap3A_275 = arith.index_cast %add3A_274 : i32 to index
      %swap3A_276 = arith.constant 32 : index
      %swap3A_277 = tpu.vector_load %arg7[%swap3A_275, %swap3A_276] {strides = array<i32>} : memref<512x128xf32, #tpu.memory_space<vmem>>, vector<1x16xf32>,
      %swap3A_278 = vector.shape_cast %swap3A_277 : vector<1x16xf32> to vector<16xf32>
      %swap3A_279 = vector.shape_cast %sub3A_272 : vector<16xf32> to vector<1x16xf32>
      tpu.vector_store %arg7[%swap3A_275, %swap3A_276], %swap3A_279 {strides = array<i32>} : memref<512x128xf32, #tpu.memory_space<vmem>>, vector<1x16xf32>,
      %add3A_280 = arith.constant 0 : i32
      %add3A_281 = arith.addi %add3A_280, %scan3A_239 : i32
      %get3A_282 = arith.index_cast %add3A_281 : i32 to index
      %get3A_283 = arith.constant 48 : index
      %get3A_284 = tpu.vector_load %arg7[%get3A_282, %get3A_283] {strides = array<i32>} : memref<512x128xf32, #tpu.memory_space<vmem>>, vector<1x16xf32>,
      %get3A_285 = vector.shape_cast %get3A_284 : vector<1x16xf32> to vector<16xf32>
      %sub3A_286 = arith.subf %get3A_285, %get3A_64 : vector<16xf32>
      %add3A_287 = arith.constant 0 : i32
      %add3A_288 = arith.addi %add3A_287, %scan3A_239 : i32
      %swap3A_289 = arith.index_cast %add3A_288 : i32 to index
      %swap3A_290 = arith.constant 48 : index
      %swap3A_291 = tpu.vector_load %arg7[%swap3A_289, %swap3A_290] {strides = array<i32>} : memref<512x128xf32, #tpu.memory_space<vmem>>, vector<1x16xf32>,
      %swap3A_292 = vector.shape_cast %swap3A_291 : vector<1x16xf32> to vector<16xf32>
      %swap3A_293 = vector.shape_cast %sub3A_286 : vector<16xf32> to vector<1x16xf32>
      tpu.vector_store %arg7[%swap3A_289, %swap3A_290], %swap3A_293 {strides = array<i32>} : memref<512x128xf32, #tpu.memory_space<vmem>>, vector<1x16xf32>,
      %add3A_294 = arith.constant 0 : i32
      %add3A_295 = arith.addi %add3A_294, %scan3A_239 : i32
      %get3A_296 = arith.index_cast %add3A_295 : i32 to index
      %get3A_297 = arith.constant 64 : index
      %get3A_298 = tpu.vector_load %arg7[%get3A_296, %get3A_297] {strides = array<i32>} : memref<512x128xf32, #tpu.memory_space<vmem>>, vector<1x16xf32>,
      %get3A_299 = vector.shape_cast %get3A_298 : vector<1x16xf32> to vector<16xf32>
      %sub3A_300 = arith.subf %get3A_299, %get3A_69 : vector<16xf32>
      %add3A_301 = arith.constant 0 : i32
      %add3A_302 = arith.addi %add3A_301, %scan3A_239 : i32
      %swap3A_303 = arith.index_cast %add3A_302 : i32 to index
      %swap3A_304 = arith.constant 64 : index
      %swap3A_305 = tpu.vector_load %arg7[%swap3A_303, %swap3A_304] {strides = array<i32>} : memref<512x128xf32, #tpu.memory_space<vmem>>, vector<1x16xf32>,
      %swap3A_306 = vector.shape_cast %swap3A_305 : vector<1x16xf32> to vector<16xf32>
      %swap3A_307 = vector.shape_cast %sub3A_300 : vector<16xf32> to vector<1x16xf32>
      tpu.vector_store %arg7[%swap3A_303, %swap3A_304], %swap3A_307 {strides = array<i32>} : memref<512x128xf32, #tpu.memory_space<vmem>>, vector<1x16xf32>,
      %add3A_308 = arith.constant 0 : i32
      %add3A_309 = arith.addi %add3A_308, %scan3A_239 : i32
      %get3A_310 = arith.index_cast %add3A_309 : i32 to index
      %get3A_311 = arith.constant 80 : index
      %get3A_312 = tpu.vector_load %arg7[%get3A_310, %get3A_311] {strides = array<i32>} : memref<512x128xf32, #tpu.memory_space<vmem>>, vector<1x16xf32>,
      %get3A_313 = vector.shape_cast %get3A_312 : vector<1x16xf32> to vector<16xf32>
      %sub3A_314 = arith.subf %get3A_313, %get3A_74 : vector<16xf32>
      %add3A_315 = arith.constant 0 : i32
      %add3A_316 = arith.addi %add3A_315, %scan3A_239 : i32
      %swap3A_317 = arith.index_cast %add3A_316 : i32 to index
      %swap3A_318 = arith.constant 80 : index
      %swap3A_319 = tpu.vector_load %arg7[%swap3A_317, %swap3A_318] {strides = array<i32>} : memref<512x128xf32, #tpu.memory_space<vmem>>, vector<1x16xf32>,
      %swap3A_320 = vector.shape_cast %swap3A_319 : vector<1x16xf32> to vector<16xf32>
      %swap3A_321 = vector.shape_cast %sub3A_314 : vector<16xf32> to vector<1x16xf32>
      tpu.vector_store %arg7[%swap3A_317, %swap3A_318], %swap3A_321 {strides = array<i32>} : memref<512x128xf32, #tpu.memory_space<vmem>>, vector<1x16xf32>,
      %add3A_322 = arith.constant 0 : i32
      %add3A_323 = arith.addi %add3A_322, %scan3A_239 : i32
      %get3A_324 = arith.index_cast %add3A_323 : i32 to index
      %get3A_325 = arith.constant 96 : index
      %get3A_326 = tpu.vector_load %arg7[%get3A_324, %get3A_325] {strides = array<i32>} : memref<512x128xf32, #tpu.memory_space<vmem>>, vector<1x16xf32>,
      %get3A_327 = vector.shape_cast %get3A_326 : vector<1x16xf32> to vector<16xf32>
      %sub3A_328 = arith.subf %get3A_327, %get3A_79 : vector<16xf32>
      %add3A_329 = arith.constant 0 : i32
      %add3A_330 = arith.addi %add3A_329, %scan3A_239 : i32
      %swap3A_331 = arith.index_cast %add3A_330 : i32 to index
      %swap3A_332 = arith.constant 96 : index
      %swap3A_333 = tpu.vector_load %arg7[%swap3A_331, %swap3A_332] {strides = array<i32>} : memref<512x128xf32, #tpu.memory_space<vmem>>, vector<1x16xf32>,
      %swap3A_334 = vector.shape_cast %swap3A_333 : vector<1x16xf32> to vector<16xf32>
      %swap3A_335 = vector.shape_cast %sub3A_328 : vector<16xf32> to vector<1x16xf32>
      tpu.vector_store %arg7[%swap3A_331, %swap3A_332], %swap3A_335 {strides = array<i32>} : memref<512x128xf32, #tpu.memory_space<vmem>>, vector<1x16xf32>,
      %add3A_336 = arith.constant 0 : i32
      %add3A_337 = arith.addi %add3A_336, %scan3A_239 : i32
      %get3A_338 = arith.index_cast %add3A_337 : i32 to index
      %get3A_339 = arith.constant 112 : index
      %get3A_340 = tpu.vector_load %arg7[%get3A_338, %get3A_339] {strides = array<i32>} : memref<512x128xf32, #tpu.memory_space<vmem>>, vector<1x16xf32>,
      %get3A_341 = vector.shape_cast %get3A_340 : vector<1x16xf32> to vector<16xf32>
      %sub3A_342 = arith.subf %get3A_341, %get3A_84 : vector<16xf32>
      %add3A_343 = arith.constant 0 : i32
      %add3A_344 = arith.addi %add3A_343, %scan3A_239 : i32
      %swap3A_345 = arith.index_cast %add3A_344 : i32 to index
      %swap3A_346 = arith.constant 112 : index
      %swap3A_347 = tpu.vector_load %arg7[%swap3A_345, %swap3A_346] {strides = array<i32>} : memref<512x128xf32, #tpu.memory_space<vmem>>, vector<1x16xf32>,
      %swap3A_348 = vector.shape_cast %swap3A_347 : vector<1x16xf32> to vector<16xf32>
      %swap3A_349 = vector.shape_cast %sub3A_342 : vector<16xf32> to vector<1x16xf32>
      tpu.vector_store %arg7[%swap3A_345, %swap3A_346], %swap3A_349 {strides = array<i32>} : memref<512x128xf32, #tpu.memory_space<vmem>>, vector<1x16xf32>,
    }
    %scan3A_99 = arith.constant 128 : i32
    %add3A_100 = arith.constant 0 : i32
    %add3A_101 = arith.addi %mul3A_2, %add3A_100 : i32
    %dma_start3A_102 = arith.constant 0 : i32
    %dma_start3A_103 = arith.constant 0 : i32
    %dma_start3A_104 = tpu.memref_slice %arg7[%dma_start3A_102, %dma_start3A_103] : memref<512x128xf32, #tpu.memory_space<vmem>> -> memref<128x128xf32, #tpu.memory_space<vmem>>
    %dma_start3A_105 = arith.constant 0 : i32
    %dma_start3A_106 = tpu.memref_slice %arg5[%add3A_101, %dma_start3A_105] : memref<16384x128xf32, #tpu.memory_space<hbm>> -> memref<128x128xf32, #tpu.memory_space<hbm>>
    %dma_start3A_107 = arith.constant 0 : i32
    %dma_start3A_108 = tpu.memref_slice %arg5[%add3A_101, %dma_start3A_107] : memref<16384x128xf32, #tpu.memory_space<hbm>> -> memref<128x128xf32, #tpu.memory_space<hbm>>
    %dma_start3A_109 = arith.constant 0 : i32
    %dma_start3A_110 = arith.constant 0 : i32
    %dma_start3A_111 = tpu.memref_slice %arg7[%dma_start3A_109, %dma_start3A_110] : memref<512x128xf32, #tpu.memory_space<vmem>> -> memref<128x128xf32, #tpu.memory_space<vmem>>
    tpu.enqueue_dma source(%dma_start3A_111 : memref<128x128xf32, #tpu.memory_space<vmem>>) target(%dma_start3A_108 : memref<128x128xf32, #tpu.memory_space<hbm>>) target_semaphore(%arg10 : memref<!tpu.dma_semaphore, #tpu.memory_space<semaphore_mem>>)
    %dma_wait3A_112 = arith.constant 1 : i32
    %dma_wait3A_113 = arith.constant 128 : i32
    %dma_wait3A_114 = arith.constant 0 : i32
    %dma_wait3A_115 = tpu.memref_slice %arg7[%dma_wait3A_113, %dma_wait3A_114] : memref<512x128xf32, #tpu.memory_space<vmem>> -> memref<128x128xf32, #tpu.memory_space<vmem>>
    %dma_wait3A_116 = arith.constant 128 : i32
    %dma_wait3A_117 = tpu.memref_slice %arg6[%dma_wait3A_116] : memref<512xi32, #tpu.memory_space<vmem>> -> memref<128xi32, #tpu.memory_space<vmem>>
    %dma_wait3A_118 = arith.constant 0 : i32
    %dma_wait3A_119 = arith.constant 0 : i32
    %dma_wait3A_120 = tpu.memref_slice %arg2[%dma_wait3A_118, %dma_wait3A_119] : memref<100000x128xf32, #tpu.memory_space<hbm>> -> memref<100000x128xf32, #tpu.memory_space<hbm>>
    %dma_wait3A_121 = tpu.memref_slice %arg9[%dma_wait3A_112] : memref<4x!tpu.dma_semaphore, #tpu.memory_space<semaphore_mem>> -> memref<1x!tpu.dma_semaphore, #tpu.memory_space<semaphore_mem>>
    %dma_wait3A_122 = tpu.memref_squeeze %dma_wait3A_121 : memref<1x!tpu.dma_semaphore, #tpu.memory_space<semaphore_mem>> -> memref<!tpu.dma_semaphore, #tpu.memory_space<semaphore_mem>>
    tpu.wait_indirect_dma semaphore(%dma_wait3A_122 : memref<!tpu.dma_semaphore, #tpu.memory_space<semaphore_mem>>) src(%dma_wait3A_120 : memref<100000x128xf32, #tpu.memory_space<hbm>>) dst(%dma_wait3A_115 : memref<128x128xf32, #tpu.memory_space<vmem>>)
    %scan3A_123 = arith.constant 0 : i32
    %scan3A_124 = arith.constant 0 : i32
    %scan3A_125 = arith.constant 128 : i32
    %scan3A_126 = arith.addi %scan3A_124, %scan3A_125 : i32
    %scan3A_127 = arith.constant 1 : i32
    scf.for %scan3A_239 = %scan3A_124 to %scan3A_126 step %scan3A_127  : i32 {
      %add3A_240 = arith.constant 128 : i32
      %add3A_241 = arith.addi %add3A_240, %scan3A_239 : i32
      %get3A_242 = arith.index_cast %add3A_241 : i32 to index
      %get3A_243 = arith.constant 0 : index
      %get3A_244 = tpu.vector_load %arg7[%get3A_242, %get3A_243] {strides = array<i32>} : memref<512x128xf32, #tpu.memory_space<vmem>>, vector<1x16xf32>,
      %get3A_245 = vector.shape_cast %get3A_244 : vector<1x16xf32> to vector<16xf32>
      %sub3A = arith.subf %get3A_245, %get3A_49 : vector<16xf32>
      %add3A_246 = arith.constant 128 : i32
      %add3A_247 = arith.addi %add3A_246, %scan3A_239 : i32
      %swap3A = arith.index_cast %add3A_247 : i32 to index
      %swap3A_248 = arith.constant 0 : index
      %swap3A_249 = tpu.vector_load %arg7[%swap3A, %swap3A_248] {strides = array<i32>} : memref<512x128xf32, #tpu.memory_space<vmem>>, vector<1x16xf32>,
      %swap3A_250 = vector.shape_cast %swap3A_249 : vector<1x16xf32> to vector<16xf32>
      %swap3A_251 = vector.shape_cast %sub3A : vector<16xf32> to vector<1x16xf32>
      tpu.vector_store %arg7[%swap3A, %swap3A_248], %swap3A_251 {strides = array<i32>} : memref<512x128xf32, #tpu.memory_space<vmem>>, vector<1x16xf32>,
      %add3A_252 = arith.constant 128 : i32
      %add3A_253 = arith.addi %add3A_252, %scan3A_239 : i32
      %get3A_254 = arith.index_cast %add3A_253 : i32 to index
      %get3A_255 = arith.constant 16 : index
      %get3A_256 = tpu.vector_load %arg7[%get3A_254, %get3A_255] {strides = array<i32>} : memref<512x128xf32, #tpu.memory_space<vmem>>, vector<1x16xf32>,
      %get3A_257 = vector.shape_cast %get3A_256 : vector<1x16xf32> to vector<16xf32>
      %sub3A_258 = arith.subf %get3A_257, %get3A_54 : vector<16xf32>
      %add3A_259 = arith.constant 128 : i32
      %add3A_260 = arith.addi %add3A_259, %scan3A_239 : i32
      %swap3A_261 = arith.index_cast %add3A_260 : i32 to index
      %swap3A_262 = arith.constant 16 : index
      %swap3A_263 = tpu.vector_load %arg7[%swap3A_261, %swap3A_262] {strides = array<i32>} : memref<512x128xf32, #tpu.memory_space<vmem>>, vector<1x16xf32>,
      %swap3A_264 = vector.shape_cast %swap3A_263 : vector<1x16xf32> to vector<16xf32>
      %swap3A_265 = vector.shape_cast %sub3A_258 : vector<16xf32> to vector<1x16xf32>
      tpu.vector_store %arg7[%swap3A_261, %swap3A_262], %swap3A_265 {strides = array<i32>} : memref<512x128xf32, #tpu.memory_space<vmem>>, vector<1x16xf32>,
      %add3A_266 = arith.constant 128 : i32
      %add3A_267 = arith.addi %add3A_266, %scan3A_239 : i32
      %get3A_268 = arith.index_cast %add3A_267 : i32 to index
      %get3A_269 = arith.constant 32 : index
      %get3A_270 = tpu.vector_load %arg7[%get3A_268, %get3A_269] {strides = array<i32>} : memref<512x128xf32, #tpu.memory_space<vmem>>, vector<1x16xf32>,
      %get3A_271 = vector.shape_cast %get3A_270 : vector<1x16xf32> to vector<16xf32>
      %sub3A_272 = arith.subf %get3A_271, %get3A_59 : vector<16xf32>
      %add3A_273 = arith.constant 128 : i32
      %add3A_274 = arith.addi %add3A_273, %scan3A_239 : i32
      %swap3A_275 = arith.index_cast %add3A_274 : i32 to index
      %swap3A_276 = arith.constant 32 : index
      %swap3A_277 = tpu.vector_load %arg7[%swap3A_275, %swap3A_276] {strides = array<i32>} : memref<512x128xf32, #tpu.memory_space<vmem>>, vector<1x16xf32>,
      %swap3A_278 = vector.shape_cast %swap3A_277 : vector<1x16xf32> to vector<16xf32>
      %swap3A_279 = vector.shape_cast %sub3A_272 : vector<16xf32> to vector<1x16xf32>
      tpu.vector_store %arg7[%swap3A_275, %swap3A_276], %swap3A_279 {strides = array<i32>} : memref<512x128xf32, #tpu.memory_space<vmem>>, vector<1x16xf32>,
      %add3A_280 = arith.constant 128 : i32
      %add3A_281 = arith.addi %add3A_280, %scan3A_239 : i32
      %get3A_282 = arith.index_cast %add3A_281 : i32 to index
      %get3A_283 = arith.constant 48 : index
      %get3A_284 = tpu.vector_load %arg7[%get3A_282, %get3A_283] {strides = array<i32>} : memref<512x128xf32, #tpu.memory_space<vmem>>, vector<1x16xf32>,
      %get3A_285 = vector.shape_cast %get3A_284 : vector<1x16xf32> to vector<16xf32>
      %sub3A_286 = arith.subf %get3A_285, %get3A_64 : vector<16xf32>
      %add3A_287 = arith.constant 128 : i32
      %add3A_288 = arith.addi %add3A_287, %scan3A_239 : i32
      %swap3A_289 = arith.index_cast %add3A_288 : i32 to index
      %swap3A_290 = arith.constant 48 : index
      %swap3A_291 = tpu.vector_load %arg7[%swap3A_289, %swap3A_290] {strides = array<i32>} : memref<512x128xf32, #tpu.memory_space<vmem>>, vector<1x16xf32>,
      %swap3A_292 = vector.shape_cast %swap3A_291 : vector<1x16xf32> to vector<16xf32>
      %swap3A_293 = vector.shape_cast %sub3A_286 : vector<16xf32> to vector<1x16xf32>
      tpu.vector_store %arg7[%swap3A_289, %swap3A_290], %swap3A_293 {strides = array<i32>} : memref<512x128xf32, #tpu.memory_space<vmem>>, vector<1x16xf32>,
      %add3A_294 = arith.constant 128 : i32
      %add3A_295 = arith.addi %add3A_294, %scan3A_239 : i32
      %get3A_296 = arith.index_cast %add3A_295 : i32 to index
      %get3A_297 = arith.constant 64 : index
      %get3A_298 = tpu.vector_load %arg7[%get3A_296, %get3A_297] {strides = array<i32>} : memref<512x128xf32, #tpu.memory_space<vmem>>, vector<1x16xf32>,
      %get3A_299 = vector.shape_cast %get3A_298 : vector<1x16xf32> to vector<16xf32>
      %sub3A_300 = arith.subf %get3A_299, %get3A_69 : vector<16xf32>
      %add3A_301 = arith.constant 128 : i32
      %add3A_302 = arith.addi %add3A_301, %scan3A_239 : i32
      %swap3A_303 = arith.index_cast %add3A_302 : i32 to index
      %swap3A_304 = arith.constant 64 : index
      %swap3A_305 = tpu.vector_load %arg7[%swap3A_303, %swap3A_304] {strides = array<i32>} : memref<512x128xf32, #tpu.memory_space<vmem>>, vector<1x16xf32>,
      %swap3A_306 = vector.shape_cast %swap3A_305 : vector<1x16xf32> to vector<16xf32>
      %swap3A_307 = vector.shape_cast %sub3A_300 : vector<16xf32> to vector<1x16xf32>
      tpu.vector_store %arg7[%swap3A_303, %swap3A_304], %swap3A_307 {strides = array<i32>} : memref<512x128xf32, #tpu.memory_space<vmem>>, vector<1x16xf32>,
      %add3A_308 = arith.constant 128 : i32
      %add3A_309 = arith.addi %add3A_308, %scan3A_239 : i32
      %get3A_310 = arith.index_cast %add3A_309 : i32 to index
      %get3A_311 = arith.constant 80 : index
      %get3A_312 = tpu.vector_load %arg7[%get3A_310, %get3A_311] {strides = array<i32>} : memref<512x128xf32, #tpu.memory_space<vmem>>, vector<1x16xf32>,
      %get3A_313 = vector.shape_cast %get3A_312 : vector<1x16xf32> to vector<16xf32>
      %sub3A_314 = arith.subf %get3A_313, %get3A_74 : vector<16xf32>
      %add3A_315 = arith.constant 128 : i32
      %add3A_316 = arith.addi %add3A_315, %scan3A_239 : i32
      %swap3A_317 = arith.index_cast %add3A_316 : i32 to index
      %swap3A_318 = arith.constant 80 : index
      %swap3A_319 = tpu.vector_load %arg7[%swap3A_317, %swap3A_318] {strides = array<i32>} : memref<512x128xf32, #tpu.memory_space<vmem>>, vector<1x16xf32>,
      %swap3A_320 = vector.shape_cast %swap3A_319 : vector<1x16xf32> to vector<16xf32>
      %swap3A_321 = vector.shape_cast %sub3A_314 : vector<16xf32> to vector<1x16xf32>
      tpu.vector_store %arg7[%swap3A_317, %swap3A_318], %swap3A_321 {strides = array<i32>} : memref<512x128xf32, #tpu.memory_space<vmem>>, vector<1x16xf32>,
      %add3A_322 = arith.constant 128 : i32
      %add3A_323 = arith.addi %add3A_322, %scan3A_239 : i32
      %get3A_324 = arith.index_cast %add3A_323 : i32 to index
      %get3A_325 = arith.constant 96 : index
      %get3A_326 = tpu.vector_load %arg7[%get3A_324, %get3A_325] {strides = array<i32>} : memref<512x128xf32, #tpu.memory_space<vmem>>, vector<1x16xf32>,
      %get3A_327 = vector.shape_cast %get3A_326 : vector<1x16xf32> to vector<16xf32>
      %sub3A_328 = arith.subf %get3A_327, %get3A_79 : vector<16xf32>
      %add3A_329 = arith.constant 128 : i32
      %add3A_330 = arith.addi %add3A_329, %scan3A_239 : i32
      %swap3A_331 = arith.index_cast %add3A_330 : i32 to index
      %swap3A_332 = arith.constant 96 : index
      %swap3A_333 = tpu.vector_load %arg7[%swap3A_331, %swap3A_332] {strides = array<i32>} : memref<512x128xf32, #tpu.memory_space<vmem>>, vector<1x16xf32>,
      %swap3A_334 = vector.shape_cast %swap3A_333 : vector<1x16xf32> to vector<16xf32>
      %swap3A_335 = vector.shape_cast %sub3A_328 : vector<16xf32> to vector<1x16xf32>
      tpu.vector_store %arg7[%swap3A_331, %swap3A_332], %swap3A_335 {strides = array<i32>} : memref<512x128xf32, #tpu.memory_space<vmem>>, vector<1x16xf32>,
      %add3A_336 = arith.constant 128 : i32
      %add3A_337 = arith.addi %add3A_336, %scan3A_239 : i32
      %get3A_338 = arith.index_cast %add3A_337 : i32 to index
      %get3A_339 = arith.constant 112 : index
      %get3A_340 = tpu.vector_load %arg7[%get3A_338, %get3A_339] {strides = array<i32>} : memref<512x128xf32, #tpu.memory_space<vmem>>, vector<1x16xf32>,
      %get3A_341 = vector.shape_cast %get3A_340 : vector<1x16xf32> to vector<16xf32>
      %sub3A_342 = arith.subf %get3A_341, %get3A_84 : vector<16xf32>
      %add3A_343 = arith.constant 128 : i32
      %add3A_344 = arith.addi %add3A_343, %scan3A_239 : i32
      %swap3A_345 = arith.index_cast %add3A_344 : i32 to index
      %swap3A_346 = arith.constant 112 : index
      %swap3A_347 = tpu.vector_load %arg7[%swap3A_345, %swap3A_346] {strides = array<i32>} : memref<512x128xf32, #tpu.memory_space<vmem>>, vector<1x16xf32>,
      %swap3A_348 = vector.shape_cast %swap3A_347 : vector<1x16xf32> to vector<16xf32>
      %swap3A_349 = vector.shape_cast %sub3A_342 : vector<16xf32> to vector<1x16xf32>
      tpu.vector_store %arg7[%swap3A_345, %swap3A_346], %swap3A_349 {strides = array<i32>} : memref<512x128xf32, #tpu.memory_space<vmem>>, vector<1x16xf32>,
    }
    %scan3A_128 = arith.constant 128 : i32
    %add3A_129 = arith.constant 128 : i32
    %add3A_130 = arith.addi %mul3A_2, %add3A_129 : i32
    %dma_start3A_131 = arith.constant 128 : i32
    %dma_start3A_132 = arith.constant 0 : i32
    %dma_start3A_133 = tpu.memref_slice %arg7[%dma_start3A_131, %dma_start3A_132] : memref<512x128xf32, #tpu.memory_space<vmem>> -> memref<128x128xf32, #tpu.memory_space<vmem>>
    %dma_start3A_134 = arith.constant 0 : i32
    %dma_start3A_135 = tpu.memref_slice %arg5[%add3A_130, %dma_start3A_134] : memref<16384x128xf32, #tpu.memory_space<hbm>> -> memref<128x128xf32, #tpu.memory_space<hbm>>
    %dma_start3A_136 = arith.constant 0 : i32
    %dma_start3A_137 = tpu.memref_slice %arg5[%add3A_130, %dma_start3A_136] : memref<16384x128xf32, #tpu.memory_space<hbm>> -> memref<128x128xf32, #tpu.memory_space<hbm>>
    %dma_start3A_138 = arith.constant 128 : i32
    %dma_start3A_139 = arith.constant 0 : i32
    %dma_start3A_140 = tpu.memref_slice %arg7[%dma_start3A_138, %dma_start3A_139] : memref<512x128xf32, #tpu.memory_space<vmem>> -> memref<128x128xf32, #tpu.memory_space<vmem>>
    tpu.enqueue_dma source(%dma_start3A_140 : memref<128x128xf32, #tpu.memory_space<vmem>>) target(%dma_start3A_137 : memref<128x128xf32, #tpu.memory_space<hbm>>) target_semaphore(%arg10 : memref<!tpu.dma_semaphore, #tpu.memory_space<semaphore_mem>>)
    %dma_wait3A_141 = arith.constant 2 : i32
    %dma_wait3A_142 = arith.constant 256 : i32
    %dma_wait3A_143 = arith.constant 0 : i32
    %dma_wait3A_144 = tpu.memref_slice %arg7[%dma_wait3A_142, %dma_wait3A_143] : memref<512x128xf32, #tpu.memory_space<vmem>> -> memref<128x128xf32, #tpu.memory_space<vmem>>
    %dma_wait3A_145 = arith.constant 256 : i32
    %dma_wait3A_146 = tpu.memref_slice %arg6[%dma_wait3A_145] : memref<512xi32, #tpu.memory_space<vmem>> -> memref<128xi32, #tpu.memory_space<vmem>>
    %dma_wait3A_147 = arith.constant 0 : i32
    %dma_wait3A_148 = arith.constant 0 : i32
    %dma_wait3A_149 = tpu.memref_slice %arg2[%dma_wait3A_147, %dma_wait3A_148] : memref<100000x128xf32, #tpu.memory_space<hbm>> -> memref<100000x128xf32, #tpu.memory_space<hbm>>
    %dma_wait3A_150 = tpu.memref_slice %arg9[%dma_wait3A_141] : memref<4x!tpu.dma_semaphore, #tpu.memory_space<semaphore_mem>> -> memref<1x!tpu.dma_semaphore, #tpu.memory_space<semaphore_mem>>
    %dma_wait3A_151 = tpu.memref_squeeze %dma_wait3A_150 : memref<1x!tpu.dma_semaphore, #tpu.memory_space<semaphore_mem>> -> memref<!tpu.dma_semaphore, #tpu.memory_space<semaphore_mem>>
    tpu.wait_indirect_dma semaphore(%dma_wait3A_151 : memref<!tpu.dma_semaphore, #tpu.memory_space<semaphore_mem>>) src(%dma_wait3A_149 : memref<100000x128xf32, #tpu.memory_space<hbm>>) dst(%dma_wait3A_144 : memref<128x128xf32, #tpu.memory_space<vmem>>)
    %scan3A_152 = arith.constant 0 : i32
    %scan3A_153 = arith.constant 0 : i32
    %scan3A_154 = arith.constant 128 : i32
    %scan3A_155 = arith.addi %scan3A_153, %scan3A_154 : i32
    %scan3A_156 = arith.constant 1 : i32
    scf.for %scan3A_239 = %scan3A_153 to %scan3A_155 step %scan3A_156  : i32 {
      %add3A_240 = arith.constant 256 : i32
      %add3A_241 = arith.addi %add3A_240, %scan3A_239 : i32
      %get3A_242 = arith.index_cast %add3A_241 : i32 to index
      %get3A_243 = arith.constant 0 : index
      %get3A_244 = tpu.vector_load %arg7[%get3A_242, %get3A_243] {strides = array<i32>} : memref<512x128xf32, #tpu.memory_space<vmem>>, vector<1x16xf32>,
      %get3A_245 = vector.shape_cast %get3A_244 : vector<1x16xf32> to vector<16xf32>
      %sub3A = arith.subf %get3A_245, %get3A_49 : vector<16xf32>
      %add3A_246 = arith.constant 256 : i32
      %add3A_247 = arith.addi %add3A_246, %scan3A_239 : i32
      %swap3A = arith.index_cast %add3A_247 : i32 to index
      %swap3A_248 = arith.constant 0 : index
      %swap3A_249 = tpu.vector_load %arg7[%swap3A, %swap3A_248] {strides = array<i32>} : memref<512x128xf32, #tpu.memory_space<vmem>>, vector<1x16xf32>,
      %swap3A_250 = vector.shape_cast %swap3A_249 : vector<1x16xf32> to vector<16xf32>
      %swap3A_251 = vector.shape_cast %sub3A : vector<16xf32> to vector<1x16xf32>
      tpu.vector_store %arg7[%swap3A, %swap3A_248], %swap3A_251 {strides = array<i32>} : memref<512x128xf32, #tpu.memory_space<vmem>>, vector<1x16xf32>,
      %add3A_252 = arith.constant 256 : i32
      %add3A_253 = arith.addi %add3A_252, %scan3A_239 : i32
      %get3A_254 = arith.index_cast %add3A_253 : i32 to index
      %get3A_255 = arith.constant 16 : index
      %get3A_256 = tpu.vector_load %arg7[%get3A_254, %get3A_255] {strides = array<i32>} : memref<512x128xf32, #tpu.memory_space<vmem>>, vector<1x16xf32>,
      %get3A_257 = vector.shape_cast %get3A_256 : vector<1x16xf32> to vector<16xf32>
      %sub3A_258 = arith.subf %get3A_257, %get3A_54 : vector<16xf32>
      %add3A_259 = arith.constant 256 : i32
      %add3A_260 = arith.addi %add3A_259, %scan3A_239 : i32
      %swap3A_261 = arith.index_cast %add3A_260 : i32 to index
      %swap3A_262 = arith.constant 16 : index
      %swap3A_263 = tpu.vector_load %arg7[%swap3A_261, %swap3A_262] {strides = array<i32>} : memref<512x128xf32, #tpu.memory_space<vmem>>, vector<1x16xf32>,
      %swap3A_264 = vector.shape_cast %swap3A_263 : vector<1x16xf32> to vector<16xf32>
      %swap3A_265 = vector.shape_cast %sub3A_258 : vector<16xf32> to vector<1x16xf32>
      tpu.vector_store %arg7[%swap3A_261, %swap3A_262], %swap3A_265 {strides = array<i32>} : memref<512x128xf32, #tpu.memory_space<vmem>>, vector<1x16xf32>,
      %add3A_266 = arith.constant 256 : i32
      %add3A_267 = arith.addi %add3A_266, %scan3A_239 : i32
      %get3A_268 = arith.index_cast %add3A_267 : i32 to index
      %get3A_269 = arith.constant 32 : index
      %get3A_270 = tpu.vector_load %arg7[%get3A_268, %get3A_269] {strides = array<i32>} : memref<512x128xf32, #tpu.memory_space<vmem>>, vector<1x16xf32>,
      %get3A_271 = vector.shape_cast %get3A_270 : vector<1x16xf32> to vector<16xf32>
      %sub3A_272 = arith.subf %get3A_271, %get3A_59 : vector<16xf32>
      %add3A_273 = arith.constant 256 : i32
      %add3A_274 = arith.addi %add3A_273, %scan3A_239 : i32
      %swap3A_275 = arith.index_cast %add3A_274 : i32 to index
      %swap3A_276 = arith.constant 32 : index
      %swap3A_277 = tpu.vector_load %arg7[%swap3A_275, %swap3A_276] {strides = array<i32>} : memref<512x128xf32, #tpu.memory_space<vmem>>, vector<1x16xf32>,
      %swap3A_278 = vector.shape_cast %swap3A_277 : vector<1x16xf32> to vector<16xf32>
      %swap3A_279 = vector.shape_cast %sub3A_272 : vector<16xf32> to vector<1x16xf32>
      tpu.vector_store %arg7[%swap3A_275, %swap3A_276], %swap3A_279 {strides = array<i32>} : memref<512x128xf32, #tpu.memory_space<vmem>>, vector<1x16xf32>,
      %add3A_280 = arith.constant 256 : i32
      %add3A_281 = arith.addi %add3A_280, %scan3A_239 : i32
      %get3A_282 = arith.index_cast %add3A_281 : i32 to index
      %get3A_283 = arith.constant 48 : index
      %get3A_284 = tpu.vector_load %arg7[%get3A_282, %get3A_283] {strides = array<i32>} : memref<512x128xf32, #tpu.memory_space<vmem>>, vector<1x16xf32>,
      %get3A_285 = vector.shape_cast %get3A_284 : vector<1x16xf32> to vector<16xf32>
      %sub3A_286 = arith.subf %get3A_285, %get3A_64 : vector<16xf32>
      %add3A_287 = arith.constant 256 : i32
      %add3A_288 = arith.addi %add3A_287, %scan3A_239 : i32
      %swap3A_289 = arith.index_cast %add3A_288 : i32 to index
      %swap3A_290 = arith.constant 48 : index
      %swap3A_291 = tpu.vector_load %arg7[%swap3A_289, %swap3A_290] {strides = array<i32>} : memref<512x128xf32, #tpu.memory_space<vmem>>, vector<1x16xf32>,
      %swap3A_292 = vector.shape_cast %swap3A_291 : vector<1x16xf32> to vector<16xf32>
      %swap3A_293 = vector.shape_cast %sub3A_286 : vector<16xf32> to vector<1x16xf32>
      tpu.vector_store %arg7[%swap3A_289, %swap3A_290], %swap3A_293 {strides = array<i32>} : memref<512x128xf32, #tpu.memory_space<vmem>>, vector<1x16xf32>,
      %add3A_294 = arith.constant 256 : i32
      %add3A_295 = arith.addi %add3A_294, %scan3A_239 : i32
      %get3A_296 = arith.index_cast %add3A_295 : i32 to index
      %get3A_297 = arith.constant 64 : index
      %get3A_298 = tpu.vector_load %arg7[%get3A_296, %get3A_297] {strides = array<i32>} : memref<512x128xf32, #tpu.memory_space<vmem>>, vector<1x16xf32>,
      %get3A_299 = vector.shape_cast %get3A_298 : vector<1x16xf32> to vector<16xf32>
      %sub3A_300 = arith.subf %get3A_299, %get3A_69 : vector<16xf32>
      %add3A_301 = arith.constant 256 : i32
      %add3A_302 = arith.addi %add3A_301, %scan3A_239 : i32
      %swap3A_303 = arith.index_cast %add3A_302 : i32 to index
      %swap3A_304 = arith.constant 64 : index
      %swap3A_305 = tpu.vector_load %arg7[%swap3A_303, %swap3A_304] {strides = array<i32>} : memref<512x128xf32, #tpu.memory_space<vmem>>, vector<1x16xf32>,
      %swap3A_306 = vector.shape_cast %swap3A_305 : vector<1x16xf32> to vector<16xf32>
      %swap3A_307 = vector.shape_cast %sub3A_300 : vector<16xf32> to vector<1x16xf32>
      tpu.vector_store %arg7[%swap3A_303, %swap3A_304], %swap3A_307 {strides = array<i32>} : memref<512x128xf32, #tpu.memory_space<vmem>>, vector<1x16xf32>,
      %add3A_308 = arith.constant 256 : i32
      %add3A_309 = arith.addi %add3A_308, %scan3A_239 : i32
      %get3A_310 = arith.index_cast %add3A_309 : i32 to index
      %get3A_311 = arith.constant 80 : index
      %get3A_312 = tpu.vector_load %arg7[%get3A_310, %get3A_311] {strides = array<i32>} : memref<512x128xf32, #tpu.memory_space<vmem>>, vector<1x16xf32>,
      %get3A_313 = vector.shape_cast %get3A_312 : vector<1x16xf32> to vector<16xf32>
      %sub3A_314 = arith.subf %get3A_313, %get3A_74 : vector<16xf32>
      %add3A_315 = arith.constant 256 : i32
      %add3A_316 = arith.addi %add3A_315, %scan3A_239 : i32
      %swap3A_317 = arith.index_cast %add3A_316 : i32 to index
      %swap3A_318 = arith.constant 80 : index
      %swap3A_319 = tpu.vector_load %arg7[%swap3A_317, %swap3A_318] {strides = array<i32>} : memref<512x128xf32, #tpu.memory_space<vmem>>, vector<1x16xf32>,
      %swap3A_320 = vector.shape_cast %swap3A_319 : vector<1x16xf32> to vector<16xf32>
      %swap3A_321 = vector.shape_cast %sub3A_314 : vector<16xf32> to vector<1x16xf32>
      tpu.vector_store %arg7[%swap3A_317, %swap3A_318], %swap3A_321 {strides = array<i32>} : memref<512x128xf32, #tpu.memory_space<vmem>>, vector<1x16xf32>,
      %add3A_322 = arith.constant 256 : i32
      %add3A_323 = arith.addi %add3A_322, %scan3A_239 : i32
      %get3A_324 = arith.index_cast %add3A_323 : i32 to index
      %get3A_325 = arith.constant 96 : index
      %get3A_326 = tpu.vector_load %arg7[%get3A_324, %get3A_325] {strides = array<i32>} : memref<512x128xf32, #tpu.memory_space<vmem>>, vector<1x16xf32>,
      %get3A_327 = vector.shape_cast %get3A_326 : vector<1x16xf32> to vector<16xf32>
      %sub3A_328 = arith.subf %get3A_327, %get3A_79 : vector<16xf32>
      %add3A_329 = arith.constant 256 : i32
      %add3A_330 = arith.addi %add3A_329, %scan3A_239 : i32
      %swap3A_331 = arith.index_cast %add3A_330 : i32 to index
      %swap3A_332 = arith.constant 96 : index
      %swap3A_333 = tpu.vector_load %arg7[%swap3A_331, %swap3A_332] {strides = array<i32>} : memref<512x128xf32, #tpu.memory_space<vmem>>, vector<1x16xf32>,
      %swap3A_334 = vector.shape_cast %swap3A_333 : vector<1x16xf32> to vector<16xf32>
      %swap3A_335 = vector.shape_cast %sub3A_328 : vector<16xf32> to vector<1x16xf32>
      tpu.vector_store %arg7[%swap3A_331, %swap3A_332], %swap3A_335 {strides = array<i32>} : memref<512x128xf32, #tpu.memory_space<vmem>>, vector<1x16xf32>,
      %add3A_336 = arith.constant 256 : i32
      %add3A_337 = arith.addi %add3A_336, %scan3A_239 : i32
      %get3A_338 = arith.index_cast %add3A_337 : i32 to index
      %get3A_339 = arith.constant 112 : index
      %get3A_340 = tpu.vector_load %arg7[%get3A_338, %get3A_339] {strides = array<i32>} : memref<512x128xf32, #tpu.memory_space<vmem>>, vector<1x16xf32>,
      %get3A_341 = vector.shape_cast %get3A_340 : vector<1x16xf32> to vector<16xf32>
      %sub3A_342 = arith.subf %get3A_341, %get3A_84 : vector<16xf32>
      %add3A_343 = arith.constant 256 : i32
      %add3A_344 = arith.addi %add3A_343, %scan3A_239 : i32
      %swap3A_345 = arith.index_cast %add3A_344 : i32 to index
      %swap3A_346 = arith.constant 112 : index
      %swap3A_347 = tpu.vector_load %arg7[%swap3A_345, %swap3A_346] {strides = array<i32>} : memref<512x128xf32, #tpu.memory_space<vmem>>, vector<1x16xf32>,
      %swap3A_348 = vector.shape_cast %swap3A_347 : vector<1x16xf32> to vector<16xf32>
      %swap3A_349 = vector.shape_cast %sub3A_342 : vector<16xf32> to vector<1x16xf32>
      tpu.vector_store %arg7[%swap3A_345, %swap3A_346], %swap3A_349 {strides = array<i32>} : memref<512x128xf32, #tpu.memory_space<vmem>>, vector<1x16xf32>,
    }
    %scan3A_157 = arith.constant 128 : i32
    %add3A_158 = arith.constant 256 : i32
    %add3A_159 = arith.addi %mul3A_2, %add3A_158 : i32
    %dma_start3A_160 = arith.constant 256 : i32
    %dma_start3A_161 = arith.constant 0 : i32
    %dma_start3A_162 = tpu.memref_slice %arg7[%dma_start3A_160, %dma_start3A_161] : memref<512x128xf32, #tpu.memory_space<vmem>> -> memref<128x128xf32, #tpu.memory_space<vmem>>
    %dma_start3A_163 = arith.constant 0 : i32
    %dma_start3A_164 = tpu.memref_slice %arg5[%add3A_159, %dma_start3A_163] : memref<16384x128xf32, #tpu.memory_space<hbm>> -> memref<128x128xf32, #tpu.memory_space<hbm>>
    %dma_start3A_165 = arith.constant 0 : i32
    %dma_start3A_166 = tpu.memref_slice %arg5[%add3A_159, %dma_start3A_165] : memref<16384x128xf32, #tpu.memory_space<hbm>> -> memref<128x128xf32, #tpu.memory_space<hbm>>
    %dma_start3A_167 = arith.constant 256 : i32
    %dma_start3A_168 = arith.constant 0 : i32
    %dma_start3A_169 = tpu.memref_slice %arg7[%dma_start3A_167, %dma_start3A_168] : memref<512x128xf32, #tpu.memory_space<vmem>> -> memref<128x128xf32, #tpu.memory_space<vmem>>
    tpu.enqueue_dma source(%dma_start3A_169 : memref<128x128xf32, #tpu.memory_space<vmem>>) target(%dma_start3A_166 : memref<128x128xf32, #tpu.memory_space<hbm>>) target_semaphore(%arg10 : memref<!tpu.dma_semaphore, #tpu.memory_space<semaphore_mem>>)
    %dma_wait3A_170 = arith.constant 3 : i32
    %dma_wait3A_171 = arith.constant 384 : i32
    %dma_wait3A_172 = arith.constant 0 : i32
    %dma_wait3A_173 = tpu.memref_slice %arg7[%dma_wait3A_171, %dma_wait3A_172] : memref<512x128xf32, #tpu.memory_space<vmem>> -> memref<128x128xf32, #tpu.memory_space<vmem>>
    %dma_wait3A_174 = arith.constant 384 : i32
    %dma_wait3A_175 = tpu.memref_slice %arg6[%dma_wait3A_174] : memref<512xi32, #tpu.memory_space<vmem>> -> memref<128xi32, #tpu.memory_space<vmem>>
    %dma_wait3A_176 = arith.constant 0 : i32
    %dma_wait3A_177 = arith.constant 0 : i32
    %dma_wait3A_178 = tpu.memref_slice %arg2[%dma_wait3A_176, %dma_wait3A_177] : memref<100000x128xf32, #tpu.memory_space<hbm>> -> memref<100000x128xf32, #tpu.memory_space<hbm>>
    %dma_wait3A_179 = tpu.memref_slice %arg9[%dma_wait3A_170] : memref<4x!tpu.dma_semaphore, #tpu.memory_space<semaphore_mem>> -> memref<1x!tpu.dma_semaphore, #tpu.memory_space<semaphore_mem>>
    %dma_wait3A_180 = tpu.memref_squeeze %dma_wait3A_179 : memref<1x!tpu.dma_semaphore, #tpu.memory_space<semaphore_mem>> -> memref<!tpu.dma_semaphore, #tpu.memory_space<semaphore_mem>>
    tpu.wait_indirect_dma semaphore(%dma_wait3A_180 : memref<!tpu.dma_semaphore, #tpu.memory_space<semaphore_mem>>) src(%dma_wait3A_178 : memref<100000x128xf32, #tpu.memory_space<hbm>>) dst(%dma_wait3A_173 : memref<128x128xf32, #tpu.memory_space<vmem>>)
    %scan3A_181 = arith.constant 0 : i32
    %scan3A_182 = arith.constant 0 : i32
    %scan3A_183 = arith.constant 128 : i32
    %scan3A_184 = arith.addi %scan3A_182, %scan3A_183 : i32
    %scan3A_185 = arith.constant 1 : i32
    scf.for %scan3A_239 = %scan3A_182 to %scan3A_184 step %scan3A_185  : i32 {
      %add3A_240 = arith.constant 384 : i32
      %add3A_241 = arith.addi %add3A_240, %scan3A_239 : i32
      %get3A_242 = arith.index_cast %add3A_241 : i32 to index
      %get3A_243 = arith.constant 0 : index
      %get3A_244 = tpu.vector_load %arg7[%get3A_242, %get3A_243] {strides = array<i32>} : memref<512x128xf32, #tpu.memory_space<vmem>>, vector<1x16xf32>,
      %get3A_245 = vector.shape_cast %get3A_244 : vector<1x16xf32> to vector<16xf32>
      %sub3A = arith.subf %get3A_245, %get3A_49 : vector<16xf32>
      %add3A_246 = arith.constant 384 : i32
      %add3A_247 = arith.addi %add3A_246, %scan3A_239 : i32
      %swap3A = arith.index_cast %add3A_247 : i32 to index
      %swap3A_248 = arith.constant 0 : index
      %swap3A_249 = tpu.vector_load %arg7[%swap3A, %swap3A_248] {strides = array<i32>} : memref<512x128xf32, #tpu.memory_space<vmem>>, vector<1x16xf32>,
      %swap3A_250 = vector.shape_cast %swap3A_249 : vector<1x16xf32> to vector<16xf32>
      %swap3A_251 = vector.shape_cast %sub3A : vector<16xf32> to vector<1x16xf32>
      tpu.vector_store %arg7[%swap3A, %swap3A_248], %swap3A_251 {strides = array<i32>} : memref<512x128xf32, #tpu.memory_space<vmem>>, vector<1x16xf32>,
      %add3A_252 = arith.constant 384 : i32
      %add3A_253 = arith.addi %add3A_252, %scan3A_239 : i32
      %get3A_254 = arith.index_cast %add3A_253 : i32 to index
      %get3A_255 = arith.constant 16 : index
      %get3A_256 = tpu.vector_load %arg7[%get3A_254, %get3A_255] {strides = array<i32>} : memref<512x128xf32, #tpu.memory_space<vmem>>, vector<1x16xf32>,
      %get3A_257 = vector.shape_cast %get3A_256 : vector<1x16xf32> to vector<16xf32>
      %sub3A_258 = arith.subf %get3A_257, %get3A_54 : vector<16xf32>
      %add3A_259 = arith.constant 384 : i32
      %add3A_260 = arith.addi %add3A_259, %scan3A_239 : i32
      %swap3A_261 = arith.index_cast %add3A_260 : i32 to index
      %swap3A_262 = arith.constant 16 : index
      %swap3A_263 = tpu.vector_load %arg7[%swap3A_261, %swap3A_262] {strides = array<i32>} : memref<512x128xf32, #tpu.memory_space<vmem>>, vector<1x16xf32>,
      %swap3A_264 = vector.shape_cast %swap3A_263 : vector<1x16xf32> to vector<16xf32>
      %swap3A_265 = vector.shape_cast %sub3A_258 : vector<16xf32> to vector<1x16xf32>
      tpu.vector_store %arg7[%swap3A_261, %swap3A_262], %swap3A_265 {strides = array<i32>} : memref<512x128xf32, #tpu.memory_space<vmem>>, vector<1x16xf32>,
      %add3A_266 = arith.constant 384 : i32
      %add3A_267 = arith.addi %add3A_266, %scan3A_239 : i32
      %get3A_268 = arith.index_cast %add3A_267 : i32 to index
      %get3A_269 = arith.constant 32 : index
      %get3A_270 = tpu.vector_load %arg7[%get3A_268, %get3A_269] {strides = array<i32>} : memref<512x128xf32, #tpu.memory_space<vmem>>, vector<1x16xf32>,
      %get3A_271 = vector.shape_cast %get3A_270 : vector<1x16xf32> to vector<16xf32>
      %sub3A_272 = arith.subf %get3A_271, %get3A_59 : vector<16xf32>
      %add3A_273 = arith.constant 384 : i32
      %add3A_274 = arith.addi %add3A_273, %scan3A_239 : i32
      %swap3A_275 = arith.index_cast %add3A_274 : i32 to index
      %swap3A_276 = arith.constant 32 : index
      %swap3A_277 = tpu.vector_load %arg7[%swap3A_275, %swap3A_276] {strides = array<i32>} : memref<512x128xf32, #tpu.memory_space<vmem>>, vector<1x16xf32>,
      %swap3A_278 = vector.shape_cast %swap3A_277 : vector<1x16xf32> to vector<16xf32>
      %swap3A_279 = vector.shape_cast %sub3A_272 : vector<16xf32> to vector<1x16xf32>
      tpu.vector_store %arg7[%swap3A_275, %swap3A_276], %swap3A_279 {strides = array<i32>} : memref<512x128xf32, #tpu.memory_space<vmem>>, vector<1x16xf32>,
      %add3A_280 = arith.constant 384 : i32
      %add3A_281 = arith.addi %add3A_280, %scan3A_239 : i32
      %get3A_282 = arith.index_cast %add3A_281 : i32 to index
      %get3A_283 = arith.constant 48 : index
      %get3A_284 = tpu.vector_load %arg7[%get3A_282, %get3A_283] {strides = array<i32>} : memref<512x128xf32, #tpu.memory_space<vmem>>, vector<1x16xf32>,
      %get3A_285 = vector.shape_cast %get3A_284 : vector<1x16xf32> to vector<16xf32>
      %sub3A_286 = arith.subf %get3A_285, %get3A_64 : vector<16xf32>
      %add3A_287 = arith.constant 384 : i32
      %add3A_288 = arith.addi %add3A_287, %scan3A_239 : i32
      %swap3A_289 = arith.index_cast %add3A_288 : i32 to index
      %swap3A_290 = arith.constant 48 : index
      %swap3A_291 = tpu.vector_load %arg7[%swap3A_289, %swap3A_290] {strides = array<i32>} : memref<512x128xf32, #tpu.memory_space<vmem>>, vector<1x16xf32>,
      %swap3A_292 = vector.shape_cast %swap3A_291 : vector<1x16xf32> to vector<16xf32>
      %swap3A_293 = vector.shape_cast %sub3A_286 : vector<16xf32> to vector<1x16xf32>
      tpu.vector_store %arg7[%swap3A_289, %swap3A_290], %swap3A_293 {strides = array<i32>} : memref<512x128xf32, #tpu.memory_space<vmem>>, vector<1x16xf32>,
      %add3A_294 = arith.constant 384 : i32
      %add3A_295 = arith.addi %add3A_294, %scan3A_239 : i32
      %get3A_296 = arith.index_cast %add3A_295 : i32 to index
      %get3A_297 = arith.constant 64 : index
      %get3A_298 = tpu.vector_load %arg7[%get3A_296, %get3A_297] {strides = array<i32>} : memref<512x128xf32, #tpu.memory_space<vmem>>, vector<1x16xf32>,
      %get3A_299 = vector.shape_cast %get3A_298 : vector<1x16xf32> to vector<16xf32>
      %sub3A_300 = arith.subf %get3A_299, %get3A_69 : vector<16xf32>
      %add3A_301 = arith.constant 384 : i32
      %add3A_302 = arith.addi %add3A_301, %scan3A_239 : i32
      %swap3A_303 = arith.index_cast %add3A_302 : i32 to index
      %swap3A_304 = arith.constant 64 : index
      %swap3A_305 = tpu.vector_load %arg7[%swap3A_303, %swap3A_304] {strides = array<i32>} : memref<512x128xf32, #tpu.memory_space<vmem>>, vector<1x16xf32>,
      %swap3A_306 = vector.shape_cast %swap3A_305 : vector<1x16xf32> to vector<16xf32>
      %swap3A_307 = vector.shape_cast %sub3A_300 : vector<16xf32> to vector<1x16xf32>
      tpu.vector_store %arg7[%swap3A_303, %swap3A_304], %swap3A_307 {strides = array<i32>} : memref<512x128xf32, #tpu.memory_space<vmem>>, vector<1x16xf32>,
      %add3A_308 = arith.constant 384 : i32
      %add3A_309 = arith.addi %add3A_308, %scan3A_239 : i32
      %get3A_310 = arith.index_cast %add3A_309 : i32 to index
      %get3A_311 = arith.constant 80 : index
      %get3A_312 = tpu.vector_load %arg7[%get3A_310, %get3A_311] {strides = array<i32>} : memref<512x128xf32, #tpu.memory_space<vmem>>, vector<1x16xf32>,
      %get3A_313 = vector.shape_cast %get3A_312 : vector<1x16xf32> to vector<16xf32>
      %sub3A_314 = arith.subf %get3A_313, %get3A_74 : vector<16xf32>
      %add3A_315 = arith.constant 384 : i32
      %add3A_316 = arith.addi %add3A_315, %scan3A_239 : i32
      %swap3A_317 = arith.index_cast %add3A_316 : i32 to index
      %swap3A_318 = arith.constant 80 : index
      %swap3A_319 = tpu.vector_load %arg7[%swap3A_317, %swap3A_318] {strides = array<i32>} : memref<512x128xf32, #tpu.memory_space<vmem>>, vector<1x16xf32>,
      %swap3A_320 = vector.shape_cast %swap3A_319 : vector<1x16xf32> to vector<16xf32>
      %swap3A_321 = vector.shape_cast %sub3A_314 : vector<16xf32> to vector<1x16xf32>
      tpu.vector_store %arg7[%swap3A_317, %swap3A_318], %swap3A_321 {strides = array<i32>} : memref<512x128xf32, #tpu.memory_space<vmem>>, vector<1x16xf32>,
      %add3A_322 = arith.constant 384 : i32
      %add3A_323 = arith.addi %add3A_322, %scan3A_239 : i32
      %get3A_324 = arith.index_cast %add3A_323 : i32 to index
      %get3A_325 = arith.constant 96 : index
      %get3A_326 = tpu.vector_load %arg7[%get3A_324, %get3A_325] {strides = array<i32>} : memref<512x128xf32, #tpu.memory_space<vmem>>, vector<1x16xf32>,
      %get3A_327 = vector.shape_cast %get3A_326 : vector<1x16xf32> to vector<16xf32>
      %sub3A_328 = arith.subf %get3A_327, %get3A_79 : vector<16xf32>
      %add3A_329 = arith.constant 384 : i32
      %add3A_330 = arith.addi %add3A_329, %scan3A_239 : i32
      %swap3A_331 = arith.index_cast %add3A_330 : i32 to index
      %swap3A_332 = arith.constant 96 : index
      %swap3A_333 = tpu.vector_load %arg7[%swap3A_331, %swap3A_332] {strides = array<i32>} : memref<512x128xf32, #tpu.memory_space<vmem>>, vector<1x16xf32>,
      %swap3A_334 = vector.shape_cast %swap3A_333 : vector<1x16xf32> to vector<16xf32>
      %swap3A_335 = vector.shape_cast %sub3A_328 : vector<16xf32> to vector<1x16xf32>
      tpu.vector_store %arg7[%swap3A_331, %swap3A_332], %swap3A_335 {strides = array<i32>} : memref<512x128xf32, #tpu.memory_space<vmem>>, vector<1x16xf32>,
      %add3A_336 = arith.constant 384 : i32
      %add3A_337 = arith.addi %add3A_336, %scan3A_239 : i32
      %get3A_338 = arith.index_cast %add3A_337 : i32 to index
      %get3A_339 = arith.constant 112 : index
      %get3A_340 = tpu.vector_load %arg7[%get3A_338, %get3A_339] {strides = array<i32>} : memref<512x128xf32, #tpu.memory_space<vmem>>, vector<1x16xf32>,
      %get3A_341 = vector.shape_cast %get3A_340 : vector<1x16xf32> to vector<16xf32>
      %sub3A_342 = arith.subf %get3A_341, %get3A_84 : vector<16xf32>
      %add3A_343 = arith.constant 384 : i32
      %add3A_344 = arith.addi %add3A_343, %scan3A_239 : i32
      %swap3A_345 = arith.index_cast %add3A_344 : i32 to index
      %swap3A_346 = arith.constant 112 : index
      %swap3A_347 = tpu.vector_load %arg7[%swap3A_345, %swap3A_346] {strides = array<i32>} : memref<512x128xf32, #tpu.memory_space<vmem>>, vector<1x16xf32>,
      %swap3A_348 = vector.shape_cast %swap3A_347 : vector<1x16xf32> to vector<16xf32>
      %swap3A_349 = vector.shape_cast %sub3A_342 : vector<16xf32> to vector<1x16xf32>
      tpu.vector_store %arg7[%swap3A_345, %swap3A_346], %swap3A_349 {strides = array<i32>} : memref<512x128xf32, #tpu.memory_space<vmem>>, vector<1x16xf32>,
    }
    %scan3A_186 = arith.constant 128 : i32
    %add3A_187 = arith.constant 384 : i32
    %add3A_188 = arith.addi %mul3A_2, %add3A_187 : i32
    %dma_start3A_189 = arith.constant 384 : i32
    %dma_start3A_190 = arith.constant 0 : i32
    %dma_start3A_191 = tpu.memref_slice %arg7[%dma_start3A_189, %dma_start3A_190] : memref<512x128xf32, #tpu.memory_space<vmem>> -> memref<128x128xf32, #tpu.memory_space<vmem>>
    %dma_start3A_192 = arith.constant 0 : i32
    %dma_start3A_193 = tpu.memref_slice %arg5[%add3A_188, %dma_start3A_192] : memref<16384x128xf32, #tpu.memory_space<hbm>> -> memref<128x128xf32, #tpu.memory_space<hbm>>
    %dma_start3A_194 = arith.constant 0 : i32
    %dma_start3A_195 = tpu.memref_slice %arg5[%add3A_188, %dma_start3A_194] : memref<16384x128xf32, #tpu.memory_space<hbm>> -> memref<128x128xf32, #tpu.memory_space<hbm>>
    %dma_start3A_196 = arith.constant 384 : i32
    %dma_start3A_197 = arith.constant 0 : i32
    %dma_start3A_198 = tpu.memref_slice %arg7[%dma_start3A_196, %dma_start3A_197] : memref<512x128xf32, #tpu.memory_space<vmem>> -> memref<128x128xf32, #tpu.memory_space<vmem>>
    tpu.enqueue_dma source(%dma_start3A_198 : memref<128x128xf32, #tpu.memory_space<vmem>>) target(%dma_start3A_195 : memref<128x128xf32, #tpu.memory_space<hbm>>) target_semaphore(%arg10 : memref<!tpu.dma_semaphore, #tpu.memory_space<semaphore_mem>>)
    %dma_wait3A_199 = arith.constant 0 : i32
    %dma_wait3A_200 = arith.constant 0 : i32
    %dma_wait3A_201 = tpu.memref_slice %arg7[%dma_wait3A_199, %dma_wait3A_200] : memref<512x128xf32, #tpu.memory_space<vmem>> -> memref<128x128xf32, #tpu.memory_space<vmem>>
    %dma_wait3A_202 = arith.constant 0 : i32
    %dma_wait3A_203 = tpu.memref_slice %arg5[%add3A_101, %dma_wait3A_202] : memref<16384x128xf32, #tpu.memory_space<hbm>> -> memref<128x128xf32, #tpu.memory_space<hbm>>
    %dma_wait3A_204 = arith.constant 0 : i32
    %dma_wait3A_205 = tpu.memref_slice %arg5[%add3A_101, %dma_wait3A_204] : memref<16384x128xf32, #tpu.memory_space<hbm>> -> memref<128x128xf32, #tpu.memory_space<hbm>>
    %dma_wait3A_206 = arith.constant 0 : i32
    %dma_wait3A_207 = arith.constant 0 : i32
    %dma_wait3A_208 = tpu.memref_slice %arg7[%dma_wait3A_206, %dma_wait3A_207] : memref<512x128xf32, #tpu.memory_space<vmem>> -> memref<128x128xf32, #tpu.memory_space<vmem>>
    tpu.wait_dma2 semaphore(%arg10 : memref<!tpu.dma_semaphore, #tpu.memory_space<semaphore_mem>>) src(%dma_wait3A_208 : memref<128x128xf32, #tpu.memory_space<vmem>>) dst(%dma_wait3A_205 : memref<128x128xf32, #tpu.memory_space<hbm>>)
    %dma_wait3A_209 = arith.constant 128 : i32
    %dma_wait3A_210 = arith.constant 0 : i32
    %dma_wait3A_211 = tpu.memref_slice %arg7[%dma_wait3A_209, %dma_wait3A_210] : memref<512x128xf32, #tpu.memory_space<vmem>> -> memref<128x128xf32, #tpu.memory_space<vmem>>
    %dma_wait3A_212 = arith.constant 0 : i32
    %dma_wait3A_213 = tpu.memref_slice %arg5[%add3A_130, %dma_wait3A_212] : memref<16384x128xf32, #tpu.memory_space<hbm>> -> memref<128x128xf32, #tpu.memory_space<hbm>>
    %dma_wait3A_214 = arith.constant 0 : i32
    %dma_wait3A_215 = tpu.memref_slice %arg5[%add3A_130, %dma_wait3A_214] : memref<16384x128xf32, #tpu.memory_space<hbm>> -> memref<128x128xf32, #tpu.memory_space<hbm>>
    %dma_wait3A_216 = arith.constant 128 : i32
    %dma_wait3A_217 = arith.constant 0 : i32
    %dma_wait3A_218 = tpu.memref_slice %arg7[%dma_wait3A_216, %dma_wait3A_217] : memref<512x128xf32, #tpu.memory_space<vmem>> -> memref<128x128xf32, #tpu.memory_space<vmem>>
    tpu.wait_dma2 semaphore(%arg10 : memref<!tpu.dma_semaphore, #tpu.memory_space<semaphore_mem>>) src(%dma_wait3A_218 : memref<128x128xf32, #tpu.memory_space<vmem>>) dst(%dma_wait3A_215 : memref<128x128xf32, #tpu.memory_space<hbm>>)
    %dma_wait3A_219 = arith.constant 256 : i32
    %dma_wait3A_220 = arith.constant 0 : i32
    %dma_wait3A_221 = tpu.memref_slice %arg7[%dma_wait3A_219, %dma_wait3A_220] : memref<512x128xf32, #tpu.memory_space<vmem>> -> memref<128x128xf32, #tpu.memory_space<vmem>>
    %dma_wait3A_222 = arith.constant 0 : i32
    %dma_wait3A_223 = tpu.memref_slice %arg5[%add3A_159, %dma_wait3A_222] : memref<16384x128xf32, #tpu.memory_space<hbm>> -> memref<128x128xf32, #tpu.memory_space<hbm>>
    %dma_wait3A_224 = arith.constant 0 : i32
    %dma_wait3A_225 = tpu.memref_slice %arg5[%add3A_159, %dma_wait3A_224] : memref<16384x128xf32, #tpu.memory_space<hbm>> -> memref<128x128xf32, #tpu.memory_space<hbm>>
    %dma_wait3A_226 = arith.constant 256 : i32
    %dma_wait3A_227 = arith.constant 0 : i32
    %dma_wait3A_228 = tpu.memref_slice %arg7[%dma_wait3A_226, %dma_wait3A_227] : memref<512x128xf32, #tpu.memory_space<vmem>> -> memref<128x128xf32, #tpu.memory_space<vmem>>
    tpu.wait_dma2 semaphore(%arg10 : memref<!tpu.dma_semaphore, #tpu.memory_space<semaphore_mem>>) src(%dma_wait3A_228 : memref<128x128xf32, #tpu.memory_space<vmem>>) dst(%dma_wait3A_225 : memref<128x128xf32, #tpu.memory_space<hbm>>)
    %dma_wait3A_229 = arith.constant 384 : i32
    %dma_wait3A_230 = arith.constant 0 : i32
    %dma_wait3A_231 = tpu.memref_slice %arg7[%dma_wait3A_229, %dma_wait3A_230] : memref<512x128xf32, #tpu.memory_space<vmem>> -> memref<128x128xf32, #tpu.memory_space<vmem>>
    %dma_wait3A_232 = arith.constant 0 : i32
    %dma_wait3A_233 = tpu.memref_slice %arg5[%add3A_188, %dma_wait3A_232] : memref<16384x128xf32, #tpu.memory_space<hbm>> -> memref<128x128xf32, #tpu.memory_space<hbm>>
    %dma_wait3A_234 = arith.constant 0 : i32
    %dma_wait3A_235 = tpu.memref_slice %arg5[%add3A_188, %dma_wait3A_234] : memref<16384x128xf32, #tpu.memory_space<hbm>> -> memref<128x128xf32, #tpu.memory_space<hbm>>
    %dma_wait3A_236 = arith.constant 384 : i32
    %dma_wait3A_237 = arith.constant 0 : i32
    %dma_wait3A_238 = tpu.memref_slice %arg7[%dma_wait3A_236, %dma_wait3A_237] : memref<512x128xf32, #tpu.memory_space<vmem>> -> memref<128x128xf32, #tpu.memory_space<vmem>>
    tpu.wait_dma2 semaphore(%arg10 : memref<!tpu.dma_semaphore, #tpu.memory_space<semaphore_mem>>) src(%dma_wait3A_238 : memref<128x128xf32, #tpu.memory_space<vmem>>) dst(%dma_wait3A_235 : memref<128x128xf32, #tpu.memory_space<hbm>>)
    return
  }
}

module attributes {stable_mosaic.version = 14 : i64} {
  func.func @_lse_body(%arg0: memref<100000x128xf32, #tpu.memory_space<any>>, %arg1: memref<1x128xf32, #tpu.memory_space<vmem>>, %arg2: memref<5x4000x128xf32, #tpu.memory_space<vmem>>, %arg3: memref<5x!tpu.dma_semaphore, #tpu.memory_space<semaphore_mem>>) attributes {dimension_semantics = [], scalar_prefetch = 0 : i64, scratch_operands = 2 : i64, tpu.core_type = #tpu.core_type<tc>} {
    %dma_start3A = arith.constant 0 : i32
    %dma_start3A_0 = arith.constant 0 : i32
    %dma_start3A_1 = tpu.memref_slice %arg3[%dma_start3A_0] : memref<5x!tpu.dma_semaphore, #tpu.memory_space<semaphore_mem>> -> memref<1x!tpu.dma_semaphore, #tpu.memory_space<semaphore_mem>>
    %dma_start3A_2 = tpu.memref_squeeze %dma_start3A_1 : memref<1x!tpu.dma_semaphore, #tpu.memory_space<semaphore_mem>> -> memref<!tpu.dma_semaphore, #tpu.memory_space<semaphore_mem>>
    %dma_start3A_3 = arith.constant 0 : i32
    %dma_start3A_4 = arith.constant 0 : i32
    %dma_start3A_5 = tpu.memref_slice %arg2[%dma_start3A, %dma_start3A_3, %dma_start3A_4] : memref<5x4000x128xf32, #tpu.memory_space<vmem>> -> memref<1x4000x128xf32, #tpu.memory_space<vmem>>
    %dma_start3A_6 = tpu.memref_squeeze %dma_start3A_5 : memref<1x4000x128xf32, #tpu.memory_space<vmem>> -> memref<4000x128xf32, #tpu.memory_space<vmem>>
    %dma_start3A_7 = arith.constant 0 : i32
    %dma_start3A_8 = arith.constant 0 : i32
    %dma_start3A_9 = tpu.memref_slice %arg0[%dma_start3A_7, %dma_start3A_8] : memref<100000x128xf32, #tpu.memory_space<any>> -> memref<4000x128xf32, #tpu.memory_space<any>>
    tpu.enqueue_dma source(%dma_start3A_9 : memref<4000x128xf32, #tpu.memory_space<any>>) target(%dma_start3A_6 : memref<4000x128xf32, #tpu.memory_space<vmem>>) target_semaphore(%dma_start3A_2 : memref<!tpu.dma_semaphore, #tpu.memory_space<semaphore_mem>>)
    %dma_start3A_10 = arith.constant 1 : i32
    %dma_start3A_11 = arith.constant 1 : i32
    %dma_start3A_12 = tpu.memref_slice %arg3[%dma_start3A_11] : memref<5x!tpu.dma_semaphore, #tpu.memory_space<semaphore_mem>> -> memref<1x!tpu.dma_semaphore, #tpu.memory_space<semaphore_mem>>
    %dma_start3A_13 = tpu.memref_squeeze %dma_start3A_12 : memref<1x!tpu.dma_semaphore, #tpu.memory_space<semaphore_mem>> -> memref<!tpu.dma_semaphore, #tpu.memory_space<semaphore_mem>>
    %dma_start3A_14 = arith.constant 0 : i32
    %dma_start3A_15 = arith.constant 0 : i32
    %dma_start3A_16 = tpu.memref_slice %arg2[%dma_start3A_10, %dma_start3A_14, %dma_start3A_15] : memref<5x4000x128xf32, #tpu.memory_space<vmem>> -> memref<1x4000x128xf32, #tpu.memory_space<vmem>>
    %dma_start3A_17 = tpu.memref_squeeze %dma_start3A_16 : memref<1x4000x128xf32, #tpu.memory_space<vmem>> -> memref<4000x128xf32, #tpu.memory_space<vmem>>
    %dma_start3A_18 = arith.constant 4000 : i32
    %dma_start3A_19 = arith.constant 0 : i32
    %dma_start3A_20 = tpu.memref_slice %arg0[%dma_start3A_18, %dma_start3A_19] : memref<100000x128xf32, #tpu.memory_space<any>> -> memref<4000x128xf32, #tpu.memory_space<any>>
    tpu.enqueue_dma source(%dma_start3A_20 : memref<4000x128xf32, #tpu.memory_space<any>>) target(%dma_start3A_17 : memref<4000x128xf32, #tpu.memory_space<vmem>>) target_semaphore(%dma_start3A_13 : memref<!tpu.dma_semaphore, #tpu.memory_space<semaphore_mem>>)
    %dma_start3A_21 = arith.constant 2 : i32
    %dma_start3A_22 = arith.constant 2 : i32
    %dma_start3A_23 = tpu.memref_slice %arg3[%dma_start3A_22] : memref<5x!tpu.dma_semaphore, #tpu.memory_space<semaphore_mem>> -> memref<1x!tpu.dma_semaphore, #tpu.memory_space<semaphore_mem>>
    %dma_start3A_24 = tpu.memref_squeeze %dma_start3A_23 : memref<1x!tpu.dma_semaphore, #tpu.memory_space<semaphore_mem>> -> memref<!tpu.dma_semaphore, #tpu.memory_space<semaphore_mem>>
    %dma_start3A_25 = arith.constant 0 : i32
    %dma_start3A_26 = arith.constant 0 : i32
    %dma_start3A_27 = tpu.memref_slice %arg2[%dma_start3A_21, %dma_start3A_25, %dma_start3A_26] : memref<5x4000x128xf32, #tpu.memory_space<vmem>> -> memref<1x4000x128xf32, #tpu.memory_space<vmem>>
    %dma_start3A_28 = tpu.memref_squeeze %dma_start3A_27 : memref<1x4000x128xf32, #tpu.memory_space<vmem>> -> memref<4000x128xf32, #tpu.memory_space<vmem>>
    %dma_start3A_29 = arith.constant 8000 : i32
    %dma_start3A_30 = arith.constant 0 : i32
    %dma_start3A_31 = tpu.memref_slice %arg0[%dma_start3A_29, %dma_start3A_30] : memref<100000x128xf32, #tpu.memory_space<any>> -> memref<4000x128xf32, #tpu.memory_space<any>>
    tpu.enqueue_dma source(%dma_start3A_31 : memref<4000x128xf32, #tpu.memory_space<any>>) target(%dma_start3A_28 : memref<4000x128xf32, #tpu.memory_space<vmem>>) target_semaphore(%dma_start3A_24 : memref<!tpu.dma_semaphore, #tpu.memory_space<semaphore_mem>>)
    %dma_start3A_32 = arith.constant 3 : i32
    %dma_start3A_33 = arith.constant 3 : i32
    %dma_start3A_34 = tpu.memref_slice %arg3[%dma_start3A_33] : memref<5x!tpu.dma_semaphore, #tpu.memory_space<semaphore_mem>> -> memref<1x!tpu.dma_semaphore, #tpu.memory_space<semaphore_mem>>
    %dma_start3A_35 = tpu.memref_squeeze %dma_start3A_34 : memref<1x!tpu.dma_semaphore, #tpu.memory_space<semaphore_mem>> -> memref<!tpu.dma_semaphore, #tpu.memory_space<semaphore_mem>>
    %dma_start3A_36 = arith.constant 0 : i32
    %dma_start3A_37 = arith.constant 0 : i32
    %dma_start3A_38 = tpu.memref_slice %arg2[%dma_start3A_32, %dma_start3A_36, %dma_start3A_37] : memref<5x4000x128xf32, #tpu.memory_space<vmem>> -> memref<1x4000x128xf32, #tpu.memory_space<vmem>>
    %dma_start3A_39 = tpu.memref_squeeze %dma_start3A_38 : memref<1x4000x128xf32, #tpu.memory_space<vmem>> -> memref<4000x128xf32, #tpu.memory_space<vmem>>
    %dma_start3A_40 = arith.constant 12000 : i32
    %dma_start3A_41 = arith.constant 0 : i32
    %dma_start3A_42 = tpu.memref_slice %arg0[%dma_start3A_40, %dma_start3A_41] : memref<100000x128xf32, #tpu.memory_space<any>> -> memref<4000x128xf32, #tpu.memory_space<any>>
    tpu.enqueue_dma source(%dma_start3A_42 : memref<4000x128xf32, #tpu.memory_space<any>>) target(%dma_start3A_39 : memref<4000x128xf32, #tpu.memory_space<vmem>>) target_semaphore(%dma_start3A_35 : memref<!tpu.dma_semaphore, #tpu.memory_space<semaphore_mem>>)
    %dma_start3A_43 = arith.constant 4 : i32
    %dma_start3A_44 = arith.constant 4 : i32
    %dma_start3A_45 = tpu.memref_slice %arg3[%dma_start3A_44] : memref<5x!tpu.dma_semaphore, #tpu.memory_space<semaphore_mem>> -> memref<1x!tpu.dma_semaphore, #tpu.memory_space<semaphore_mem>>
    %dma_start3A_46 = tpu.memref_squeeze %dma_start3A_45 : memref<1x!tpu.dma_semaphore, #tpu.memory_space<semaphore_mem>> -> memref<!tpu.dma_semaphore, #tpu.memory_space<semaphore_mem>>
    %dma_start3A_47 = arith.constant 0 : i32
    %dma_start3A_48 = arith.constant 0 : i32
    %dma_start3A_49 = tpu.memref_slice %arg2[%dma_start3A_43, %dma_start3A_47, %dma_start3A_48] : memref<5x4000x128xf32, #tpu.memory_space<vmem>> -> memref<1x4000x128xf32, #tpu.memory_space<vmem>>
    %dma_start3A_50 = tpu.memref_squeeze %dma_start3A_49 : memref<1x4000x128xf32, #tpu.memory_space<vmem>> -> memref<4000x128xf32, #tpu.memory_space<vmem>>
    %dma_start3A_51 = arith.constant 16000 : i32
    %dma_start3A_52 = arith.constant 0 : i32
    %dma_start3A_53 = tpu.memref_slice %arg0[%dma_start3A_51, %dma_start3A_52] : memref<100000x128xf32, #tpu.memory_space<any>> -> memref<4000x128xf32, #tpu.memory_space<any>>
    tpu.enqueue_dma source(%dma_start3A_53 : memref<4000x128xf32, #tpu.memory_space<any>>) target(%dma_start3A_50 : memref<4000x128xf32, #tpu.memory_space<vmem>>) target_semaphore(%dma_start3A_46 : memref<!tpu.dma_semaphore, #tpu.memory_space<semaphore_mem>>)
    %broadcast_in_dim3A = arith.constant 0.000000e+00 : f32
    %broadcast_in_dim3A_54 = vector.broadcast %broadcast_in_dim3A : f32 to vector<32x128xf32>
    %scan3A = arith.constant 0 : i32
    %scan3A_55 = arith.constant 25 : i32
    %scan3A_56 = arith.addi %scan3A, %scan3A_55 : i32
    %scan3A_57 = arith.constant 1 : i32
    %scan3A_58 = scf.for %scan3A_64 = %scan3A to %scan3A_56 step %scan3A_57 iter_args(%scan3A_65 = %broadcast_in_dim3A_54) -> (vector<32x128xf32>)  : i32 {
      %jit3A = arith.constant 5 : i32
      %eq3A = arith.constant 0 : i32
      %eq3A_66 = arith.cmpi eq, %jit3A, %eq3A : i32
      %jit3A_67 = arith.constant 1 : i32
      %select_n3A = arith.select %eq3A_66, %jit3A_67, %jit3A : i32
      %rem3A = arith.remsi %scan3A_64, %select_n3A : i32
      %ne3A = arith.constant 0 : i32
      %ne3A_68 = arith.cmpi ne, %rem3A, %ne3A : i32
      %lt3A = arith.constant 0 : i32
      %lt3A_69 = arith.cmpi slt, %rem3A, %lt3A : i32
      %lt3A_70 = arith.constant 0 : i32
      %lt3A_71 = arith.cmpi slt, %select_n3A, %lt3A_70 : i32
      %ne3A_72 = arith.xori %lt3A_69, %lt3A_71 : i1
      %and3A = arith.andi %ne3A_72, %ne3A_68 : i1
      %add3A = arith.addi %rem3A, %select_n3A : i32
      %select_n3A_73 = arith.select %and3A, %add3A, %rem3A : i32
      %mul3A = arith.constant 4000 : i32
      %mul3A_74 = arith.muli %scan3A_64, %mul3A : i32
      %dma_wait3A = tpu.memref_slice %arg3[%select_n3A_73] : memref<5x!tpu.dma_semaphore, #tpu.memory_space<semaphore_mem>> -> memref<1x!tpu.dma_semaphore, #tpu.memory_space<semaphore_mem>>
      %dma_wait3A_75 = tpu.memref_squeeze %dma_wait3A : memref<1x!tpu.dma_semaphore, #tpu.memory_space<semaphore_mem>> -> memref<!tpu.dma_semaphore, #tpu.memory_space<semaphore_mem>>
      %dma_wait3A_76 = arith.constant 0 : i32
      %dma_wait3A_77 = arith.constant 0 : i32
      %dma_wait3A_78 = tpu.memref_slice %arg2[%select_n3A_73, %dma_wait3A_76, %dma_wait3A_77] : memref<5x4000x128xf32, #tpu.memory_space<vmem>> -> memref<1x4000x128xf32, #tpu.memory_space<vmem>>
      %dma_wait3A_79 = tpu.memref_squeeze %dma_wait3A_78 : memref<1x4000x128xf32, #tpu.memory_space<vmem>> -> memref<4000x128xf32, #tpu.memory_space<vmem>>
      %dma_wait3A_80 = arith.constant 0 : i32
      %dma_wait3A_81 = tpu.memref_slice %arg0[%mul3A_74, %dma_wait3A_80] : memref<100000x128xf32, #tpu.memory_space<any>> -> memref<4000x128xf32, #tpu.memory_space<any>>
      tpu.wait_dma2 semaphore(%dma_wait3A_75 : memref<!tpu.dma_semaphore, #tpu.memory_space<semaphore_mem>>) src(%dma_wait3A_81 : memref<4000x128xf32, #tpu.memory_space<any>>) dst(%dma_wait3A_79 : memref<4000x128xf32, #tpu.memory_space<vmem>>)
      %get3A = arith.index_cast %select_n3A_73 : i32 to index
      %get3A_82 = arith.constant 0 : index
      %get3A_83 = arith.constant 0 : index
      %get3A_84 = vector.load %arg2[%get3A, %get3A_82, %get3A_83] : memref<5x4000x128xf32, #tpu.memory_space<vmem>>, vector<1x4000x128xf32>
      %get3A_85 = vector.shape_cast %get3A_84 : vector<1x4000x128xf32> to vector<4000x128xf32>
      %exp3A = math.exp %get3A_85 : vector<4000x128xf32>
      %reshape3A = vector.shape_cast %exp3A : vector<4000x128xf32> to vector<125x32x128xf32>
      %reduce_sum3A_86 = arith.constant dense<0.000000e+00> : vector<32x128xf32>
      %reduce_sum3A_87 = vector.multi_reduction <add>, %reshape3A, %reduce_sum3A_86 [0] : vector<125x32x128xf32> to vector<32x128xf32>
      %add3A_88 = arith.addf %scan3A_65, %reduce_sum3A_87 : vector<32x128xf32>
      %add3A_89 = arith.constant 5 : i32
      %add3A_90 = arith.addi %scan3A_64, %add3A_89 : i32
      %lt3A_91 = arith.constant 25 : i32
      %lt3A_92 = arith.cmpi slt, %add3A_90, %lt3A_91 : i32
      %convert_element_type3A = arith.extui %lt3A_92 : i1 to i32
      %cond3A = arith.constant 0 : i32
      %cond3A_93 = arith.cmpi ne, %convert_element_type3A, %cond3A : i32
      scf.if %cond3A_93 {
        %add3A_94 = arith.constant 5 : i32
        %add3A_95 = arith.addi %scan3A_64, %add3A_94 : i32
        %mul3A_96 = arith.constant 4000 : i32
        %mul3A_97 = arith.muli %add3A_95, %mul3A_96 : i32
        %dma_start3A_98 = tpu.memref_slice %arg3[%select_n3A_73] : memref<5x!tpu.dma_semaphore, #tpu.memory_space<semaphore_mem>> -> memref<1x!tpu.dma_semaphore, #tpu.memory_space<semaphore_mem>>
        %dma_start3A_99 = tpu.memref_squeeze %dma_start3A_98 : memref<1x!tpu.dma_semaphore, #tpu.memory_space<semaphore_mem>> -> memref<!tpu.dma_semaphore, #tpu.memory_space<semaphore_mem>>
        %dma_start3A_100 = arith.constant 0 : i32
        %dma_start3A_101 = arith.constant 0 : i32
        %dma_start3A_102 = tpu.memref_slice %arg2[%select_n3A_73, %dma_start3A_100, %dma_start3A_101] : memref<5x4000x128xf32, #tpu.memory_space<vmem>> -> memref<1x4000x128xf32, #tpu.memory_space<vmem>>
        %dma_start3A_103 = tpu.memref_squeeze %dma_start3A_102 : memref<1x4000x128xf32, #tpu.memory_space<vmem>> -> memref<4000x128xf32, #tpu.memory_space<vmem>>
        %dma_start3A_104 = arith.constant 0 : i32
        %dma_start3A_105 = tpu.memref_slice %arg0[%mul3A_97, %dma_start3A_104] : memref<100000x128xf32, #tpu.memory_space<any>> -> memref<4000x128xf32, #tpu.memory_space<any>>
        tpu.enqueue_dma source(%dma_start3A_105 : memref<4000x128xf32, #tpu.memory_space<any>>) target(%dma_start3A_103 : memref<4000x128xf32, #tpu.memory_space<vmem>>) target_semaphore(%dma_start3A_99 : memref<!tpu.dma_semaphore, #tpu.memory_space<semaphore_mem>>)
      } else {
      }
      scf.yield %add3A_88 : vector<32x128xf32>
    }
    %scan3A_59 = arith.constant 25 : i32
    %reduce_sum3A = arith.constant dense<0.000000e+00> : vector<128xf32>
    %reduce_sum3A_60 = vector.multi_reduction <add>, %scan3A_58, %reduce_sum3A [0] : vector<32x128xf32> to vector<128xf32>
    %broadcast_in_dim3A_61 = vector.shape_cast %reduce_sum3A_60 : vector<128xf32> to vector<1x128xf32>
    %log3A = math.log %broadcast_in_dim3A_61 : vector<1x128xf32>
    %swap3A = arith.constant 0 : index
    %swap3A_62 = arith.constant 0 : index
    %swap3A_63 = vector.load %arg1[%swap3A, %swap3A_62] : memref<1x128xf32, #tpu.memory_space<vmem>>, vector<1x128xf32>
    tpu.vector_store %arg1[%swap3A, %swap3A_62], %log3A {strides = array<i32>} : memref<1x128xf32, #tpu.memory_space<vmem>>, vector<1x128xf32>,
    return
  }
}

</mosaic_0001>

<sc_bundles>
// kernel: kernel.4.cloned.1.call-start
scs
__scs_entry_jumppad:
0x0: {  	(pc) =	sbr.rel $0x88, $3  }
0x1: {  	(tag) =	ssettag $0x0;
	lr =	simm.s32 $0x1  }
0x2: {  	[smem:$0x3F9F] =	sst lr;
	_ =	strace $0xD0000000  }
0x3: {  	_ = 	snop  }
0x4: {  	_ = 	snop  }
0x5: {  	_ = 	snop  }
0x6: {  	_ = 	snop  }
0x7: {  	_ = 	snop  }
__scs_overlays_trampoline_lowered:
0x8: {  	[smem:$0x3FAE] =	sst s0  }
0x9: {  	[smem:$0x3FAF] =	sst s1  }
0xa: {  	[smem:$0x3FB0] =	sst s2  }
0xb: {  	[smem:$0x3FB1] =	sst s3  }
0xc: {  	[smem:$0x3FB2] =	sst s4  }
0xd: {  	[smem:$0x3FB3] =	sst s5  }
0xe: {  	[smem:$0x3FB4] =	sst s6  }
0xf: {  	[smem:$0x3FB5] =	sst s7  }
0x10: {  	[smem:$0x3FB6] =	sst s8  }
0x11: {  	[smem:$0x3FB7] =	sst s9;
	s0 =	simm.s32 @!p0 $0x0  }
0x12: {  	s1 =	sld [smem:$0x3F9D];
	s0 =	simm.s32 @p0 $0x1  }
0x13: {  	[smem:$0x3FB8] =	sst s0;
	s0 =	simm.s32 @!p1 $0x0  }
0x14: {  	s2 =	sld [smem:$0x3F9C];
	s0 =	simm.s32 @p1 $0x1  }
0x15: {  	[smem:$0x3FB9] =	sst s0;
	s0 =	simm.s32 @!p2 $0x0  }
0x16: {  	s3 =	sld [smem:$0x3FDB];
	s0 =	simm.s32 @p2 $0x1  }
0x17: {  	s4 =	simm.s32 $0x1BF5;
	[smem:$0x3FBB] =	sst s0  }
0x18: {  	s0 =	sld [smem:$0x3F9E];
	_ =	swait.ge [sflag:s4], $0x0  }
0x19: {  	s7 =	sld [smem:$0x3F9F]  }
0x1a: {  	s8 =	sadd.s32 $0xFFFFE003, lr  }
0x1b: {  	s9 =	sadd.s32 $0xFFFFFEF7, lr;
	s5 =	simm.s32 $0xFFFFFFFF;
	p2 =	slt.u32 s8, $0xFFFFF086  }
0x1c: {  	p1 =	slt.u32 s9, $0xF7A;
	s5 =	simm.s32 @!p2 $0x0  }
0x1d: {  	s5 =	simm.s32 @p1 $0x1;
	p0 =	seq.s32 s7, s2  }
0x1e: {  	s7 =	smul.u32 @!p0 $0xF7A, s2;
	p2 =	seq.s32 @!p0 s5, $0x0  }
0x1f: {  	s9 =	smul.u32 $0xF7A, s1;
	s8 =	simm.s32 @!p0 $0x1BF5;
	p2 =	por !p2, p0  }
0x20: {  	[sflag:s8] =	ssyncset.s32 @!p0 $0xFFFFF086;
	s6 =	sadd.s32 @!p0 s3, s7;
	s7 =	simm.s32 @!p0 $0x108  }
0x21: {  	s3 =	sadd.s32 s3, s9;
	s6 =	sadd.s32 @!p0 $0x88, s6;
	s7 =	simm.s32 @p2 $0x1082  }
0x22: {  	[simem:s7], [sflag:s8] =	dma.local @!p0 [hbm:s6], $0xF7A  }
0x23: {  	s9 =	sor.u32 $0xD0000000, s2;
	s6 =	simm.s32 $0x108;
	_ =	swait.ge @!p0 [sflag:s8], $0x0  }
0x24: {  	s3 =	sadd.s32 $0x88, s3;
	s6 =	simm.s32 @!p1 $0x1082;
	[sflag:s4] =	ssyncset.s32 $0xFFFFF086  }
0x25: {  	[simem:s6], [sflag:s4] =	dma.local [hbm:s3], $0xF7A  }
0x26: {  	[smem:$0x3F9F] =	sst s1;
	(tag) =	ssettag s2;
	_ =	strace s9  }
0x27: {  	s1 =	sld [smem:$0x3FAF]  }
0x28: {  	s2 =	sld [smem:$0x3FB0]  }
0x29: {  	s4 =	sld [smem:$0x3FB2]  }
0x2a: {  	p0 =	seq.s32 s5, $0x0;
	s5 =	sld [smem:$0x3FB3]  }
0x2b: {  	s6 =	sld [smem:$0x3FB4]  }
0x2c: {  	s7 =	sld [smem:$0x3FB5]  }
0x2d: {  	s3 =	simm.s32 $0x108;
	s8 =	sld [smem:$0x3FB6]  }
0x2e: {  	s3 =	simm.s32 @!p0 $0x1082;
	s9 =	sld [smem:$0x3FB7]  }
0x2f: {  	lr =	sadd.s32 s0, s3;
	s0 =	sld [smem:$0x3FAE]  }
0x30: {  	s3 =	sld [smem:$0x3FB1]  }
0x31: {  	[smem:$0x3FBA] =	sst s10  }
0x32: {  	s10 =	sld [smem:$0x3FB8];
	_ =	sdelay $0x3  }
0x33: {  	p0 =	seq.s32 s10, $0x1;
	s10 =	sld [smem:$0x3FBA];
	_ =	sdelay $0x3  }
0x34: {  	[smem:$0x3FBA] =	sst s10  }
0x35: {  	s10 =	sld [smem:$0x3FB9];
	_ =	sdelay $0x3  }
0x36: {  	p1 =	seq.s32 s10, $0x1;
	s10 =	sld [smem:$0x3FBA];
	_ =	sdelay $0x3  }
0x37: {  	[smem:$0x3FBA] =	sst s10  }
0x38: {  	s10 =	sld [smem:$0x3FBB]  }
0x39: {  	_ = 	snop;
	(pc) =	sbr.ind lr, $3  }
0x3a: {  	_ = 	snop  }
0x3b: {  	_ = 	snop  }
0x3c: {  	p2 =	seq.s32 s10, $0x1;
	s10 =	sld [smem:$0x3FBA]  }
0x3d: {  	_ =	shalt  }
0x3e: {  	_ =	shalt  }
0x3f: {  	_ =	shalt  }
0x40: {  	_ =	shalt  }
0x41: {  	_ =	shalt  }
0x42: {  	_ =	shalt  }
0x43: {  	_ =	shalt  }
0x44: {  	_ =	shalt  }
0x45: {  	_ =	shalt  }
0x46: {  	_ =	shalt  }
0x47: {  	_ =	shalt  }
0x48: {  	_ =	shalt  }
0x49: {  	_ =	shalt  }
0x4a: {  	_ =	shalt  }
0x4b: {  	_ =	shalt  }
0x4c: {  	_ =	shalt  }
0x4d: {  	_ =	shalt  }
0x4e: {  	_ =	shalt  }
0x4f: {  	_ =	shalt  }
0x50: {  	_ =	shalt  }
0x51: {  	_ =	shalt  }
0x52: {  	_ =	shalt  }
0x53: {  	_ =	shalt  }
0x54: {  	_ =	shalt  }
0x55: {  	_ =	shalt  }
0x56: {  	_ =	shalt  }
0x57: {  	_ =	shalt  }
0x58: {  	_ =	shalt  }
0x59: {  	_ =	shalt  }
0x5a: {  	_ =	shalt  }
0x5b: {  	_ =	shalt  }
0x5c: {  	_ =	shalt  }
0x5d: {  	_ =	shalt  }
0x5e: {  	_ =	shalt  }
0x5f: {  	_ =	shalt  }
0x60: {  	_ =	shalt  }
0x61: {  	_ =	shalt  }
0x62: {  	_ =	shalt  }
0x63: {  	_ =	shalt  }
0x64: {  	_ =	shalt  }
0x65: {  	_ =	shalt  }
0x66: {  	_ =	shalt  }
0x67: {  	_ =	shalt  }
0x68: {  	_ =	shalt  }
0x69: {  	_ =	shalt  }
0x6a: {  	_ =	shalt  }
0x6b: {  	_ =	shalt  }
0x6c: {  	_ =	shalt  }
0x6d: {  	_ =	shalt  }
0x6e: {  	_ =	shalt  }
0x6f: {  	_ =	shalt  }
0x70: {  	_ =	shalt  }
0x71: {  	_ =	shalt  }
0x72: {  	_ =	shalt  }
0x73: {  	_ =	shalt  }
0x74: {  	_ =	shalt  }
0x75: {  	_ =	shalt  }
0x76: {  	_ =	shalt  }
0x77: {  	_ =	shalt  }
0x78: {  	_ =	shalt  }
0x79: {  	_ =	shalt  }
0x7a: {  	_ =	shalt  }
0x7b: {  	_ =	shalt  }
0x7c: {  	_ =	shalt  }
0x7d: {  	_ =	shalt  }
0x7e: {  	_ =	shalt  }
0x7f: {  	_ =	shalt  }
0x80: {  	_ =	shalt  }
0x81: {  	_ =	shalt  }
0x82: {  	_ =	shalt  }
0x83: {  	_ =	shalt  }
0x84: {  	_ =	shalt  }
0x85: {  	_ =	shalt  }
0x86: {  	_ =	shalt  }
0x87: {  	_ =	shalt  }
.Lfunc_end0:
.L_simem_size_0:
called_computation_lowered:
.L_overlay_start_0:
0x88: {  	s2 =	sld [smem:$0x3FD9]  }
0x89: {  	s3 =	sld [smem:$0x3FFE];
	_ =	sdelay $0x1  }
0x8a: {  	s1 =	srdreg.scid  }
0x8b: {  	s0 =	sand.u32 $0x1, s1  }
0x8c: {  	s17 =	sshll.u32 s0, $0xA;
	s2 =	sadd.s32 s3, s2  }
0x8d: {  	s2 =	sadd.s32 s2, s17  }
0x8e: {  	[smem:$0x3FC6] =	sst s2  }
0x8f: {  	_ = 	snop  }
0x90: {  	s2 =	sld [smem:$0x3FC9]  }
0x91: {  	s18 =	sld [smem:$0x3FC8]  }
0x92: {  	s4 =	sld [smem:$0x3FD0];
	(tm) =	ssettm $0x1  }
0x93: {  	s5 =	sld [smem:$0x3FFB];
	_ =	sdelay $0x3  }
0x94: {  	_ =	strace s5  }
0x95: {  	s5 =	sld [smem:$0x3FFC];
	_ =	sdelay $0x3  }
0x96: {  	_ =	strace s5  }
0x97: {  	s5 =	sld [smem:$0x3FFD];
	_ =	sdelay $0x3  }
0x98: {  	_ =	strace s5  }
0x99: {  	_ =	strace $0x8FFFFFFF  }
0x9a: {  	s19 =	sld [smem:$0x3FDB];
	_ =	sdelay $0x1  }
0x9b: {  	s6 =	simm.s32 $_scs_section_size  }
0x9c: {  	s7 =	simm.s32 $_size__tile_overlayer_lowered;
	s8 =	simm.s32 $_tile_overlayer_lowered  }
0x9d: {  	s22 =	simm.s32 $0x1BFF;
	s21 =	sshll.u32 s8, $0x1;
	s5 =	sadd.s32 s6, s19  }
0x9e: {  	s9 =	simm.s32 $0x0;
	s20 =	sshll.u32 s7, $0x1;
	s7 =	sadd.s32 s21, s5  }
0x9f: {  	[timem:s9], [sflag:s22] =	dma.local [hbm:s7], s20  }
0xa0: {  	_ =	swait.ge [sflag:s22], s20  }
0xa1: {  	s6 =	ssub.s32 $0x0, s20;
	[sflag:s22] =	ssyncset.done $0x0  }
0xa2: {  	[sflag:s22] =	ssyncadd.s32 s6;
	_ =	sdelay $0x1  }
0xa3: {  	s23 =	simm.s32 $0x1B8B  }
0xa4: {  	_ =	swait.ge [sflag:s23], $0x1  }
0xa5: {  	[sflag:s23] =	ssyncset.done $0x0  }
0xa6: {  	s25 =	simm.s32 $0x1B8E;
	s24 =	sld [smem:$0x3FFE];
	[sflag:s23] =	ssyncadd.s32 $0xFFFFFFFF  }
0xa7: {  	s26 =	simm.s32 $execute0_lowered;
	[smem:$0x3FD2] =	sst s25  }
0xa8: {  	s7 =	sshll.u32 s26, $0x1;
	_ =	strace $0x80000046;
	[dreg:$0x1] =	wrdreg $0xFFFFFFFF  }
0xa9: {  	s28 =	simm.s32 $_size_execute0_lowered;
	s5 =	sadd.s32 s5, s7;
	[dreg:$0x0] =	wrdreg $0x0  }
0xaa: {  	s7 =	sshll.u32 s28, $0x1;
	[dreg:$0x2] =	wrdreg s5  }
0xab: {  	[dreg:$0x3] =	wrdreg s7  }
0xac: {  	[dreg:$0x4] =	wrdreg $0xC0  }
0xad: {  	_ =	task [dreg:s9], $0x5FFFF  }
0xae: {  	[dreg:$0x1] =	wrdreg $0xFFFFFFFF  }
0xaf: {  	[dreg:$0x0] =	wrdreg $0x60  }
0xb0: {  	[dreg:$0x2] =	wrdreg s18  }
0xb1: {  	[dreg:$0x3] =	wrdreg s2  }
0xb2: {  	[dreg:$0x4] =	wrdreg s24  }
0xb3: {  	[dreg:$0x5] =	wrdreg s4  }
0xb4: {  	[dreg:$0x6] =	wrdreg $0x9  }
0xb5: {  	_ =	task.clear_ibuf [dreg:s9], $0x7FFFF;
	_ =	strace $0x90000046  }
0xb6: {  	s29 =	simm.s32 $0x9;
	_ =	strace $0x80000048  }
0xb7: {  	_ =	swait.ge [sflag:s29], $0x1  }
0xb8: {  	[sflag:s29] =	ssyncadd.s32 $0xFFFFFFFF  }
0xb9: {  	_ =	strace $0x90000048  }
0xba: {  	_ =	sfence  }
0xbb: {  	s30 =	sld [smem:$0x0];
	_ =	sdelay $0x2  }
0xbc: {  	s31 =	sshll.u32 s1, $0xD;
	s1 =	sshrl.u32 s1, $0x2  }
0xbd: {  	s3 =	sand.u32 $0x4000, s31;
	s1 =	sadd.s32 s1, s30  }
0xbe: {  	s0 =	sor.u32 s3, s0;
	s1 =	sshll.u32 s1, $0x11  }
0xbf: {  	s0 =	sor.u32 s1, s0  }
0xc0: {  	s0 =	sadd.s32 $0x8F2B, s0  }
0xc1: {  	[sflag:s0] =	ssyncadd.remote.s32 $0x1  }
0xc2: {  	_ =	sfence.sel $0xFFFF  }
0xc3: {  	[dreg:$0x0] =	wrdreg $0xFFFFFFFF;
	(pc) =	sbr.abs _section_cstart, $3  }
0xc4: {  	[dreg:$0x1] =	wrdreg $0xFFFFFFFF  }
0xc5: {  	_ =	task.clear_ibuf [dreg:s9], $0x2FFFF;
	_ =	strace $0x9FFFFFFF  }
0xc6: {  	(tm) =	ssettm $0x7FFFFFFF  }
0xc7: {  	_ =	shalt  }
tec
execute0_lowered:
.L_overlay_start_1:
0x0: {  	(tag) =	ssettag $0x1  }
0x1: {  	s1 =	rddreg [dreg:$0x0]  }
0x2: {  	s6 =	rddreg [dreg:$0x1]  }
0x3: {  	s4 =	rddreg [dreg:$0x2]  }
0x4: {  	s5 =	rddreg [dreg:$0x3]  }
0x5: {  	s0 =	rddreg [dreg:$0x4]  }
0x6: {  	s7 =	srdreg.scid;
	s3 =	simm.s32 $0x0;
	s2 =	stileid.u32  }
0x7: {  	s11 =	simm.s32 $0x6;
	s12 =	simm.s32 $0x80;
	s13 =	simm.s32 $0x200  }
0x8: {  	s14 =	simm.s32 $0x4200;
	s15 =	simm.s32 $0x100;
	s16 =	simm.s32 $0x8200  }
0x9: {  	s17 =	simm.s32 $0x180;
	s18 =	simm.s32 $0xC200;
	s19 =	simm.s32 $0x10200  }
0xa: {  	s20 =	simm.s32 $0x1;
	s21 =	simm.s32 $0x2;
	s22 =	simm.s32 $0x3  }
0xb: {  	s23 =	simm.s32 $0x4;
	s24 =	simm.s32 $0x5;
	s25 =	simm.s32 $0x0  }
0xc: {  	s7 =	sand.u32 $0x1, s7;
	[smem:$0x7FF] =	sst s3;
	s8 =	sshll.u32 s2, $0xA  }
0xd: {  	s4 =	sadd.s32 $0x600, s4;
	s9 =	sshll.u32 s7, $0x9;
	s7 =	ssub.s32 $0x2, s7  }
0xe: {  	_ =	strace $0x80000047;
	s8 =	sor.u32 s9, s8;
	s10 =	sshrl.u32 s7, $0x1  }
0xf: {  	s9 =	sshll.u32 s8, $0x4;
	s8 =	sshrl.u32 s8, $0x3;
	s10 =	ssub.s32 s7, s10  }
0x10: {  	s5 =	sadd.s32 s5, s9;
	s6 =	sadd.s32 s6, s8;
	s10 =	smax.u32 s10, $0x1  }
0x11: {  	s7 =	sadd.s32 $0x800, s5;
	s8 =	sadd.s32 $0x1000, s5;
	s9 =	sadd.s32 $0x1800, s5  }
.LBB2_1:
0x12: {  	[tilespmem:s3], [sflag:$0x6] =	stream.linear.gather [hbm4b:s6+s3], $0x200, $0x38;
	[tilespmem:$0x10280] =	vst v63  }
0x13: {  	_ =	swait.ge [sflag:s11], $0x200  }
0x14: {  	[sflag:s11] =	ssyncset.done $0x0  }
0x15: {  	[sflag:s11] =	ssyncadd.s32 $0xFFFFFE00  }
0x16: {  	[tilespmem:s13], [sflag:$0x1] =	stream.indirect.gather [hbm4b:s1+s12], $0x80, s3, s12, $0xb8;
	[tilespmem:$0x10280] =	vst v63  }
0x17: {  	_ = 	snop  }
0x18: {  	[tilespmem:s14], [sflag:$0x2] =	stream.indirect.gather [hbm4b:s1+s12], $0x80, s12, s12, $0xb8;
	[tilespmem:$0x10280] =	vst v63  }
0x19: {  	_ = 	snop  }
0x1a: {  	[tilespmem:s16], [sflag:$0x3] =	stream.indirect.gather [hbm4b:s1+s12], $0x80, s15, s12, $0xb8;
	[tilespmem:$0x10280] =	vst v63  }
0x1b: {  	_ = 	snop  }
0x1c: {  	[tilespmem:s18], [sflag:$0x4] =	stream.indirect.gather [hbm4b:s1+s12], $0x80, s17, s12, $0xb8;
	[tilespmem:$0x10280] =	vst v63  }
0x1d: {  	_ = 	snop  }
0x1e: {  	[tilespmem:s19], [sflag:$0x6] =	stream.linear.gather [hbm4b:s4+s3], $0x80, $0x38;
	[tilespmem:$0x10280] =	vst v63  }
0x1f: {  	_ =	swait.ge [sflag:s11], $0x80  }
0x20: {  	[sflag:s11] =	ssyncset.done $0x0  }
0x21: {  	[sflag:s11] =	ssyncadd.s32 $0xFFFFFF80  }
0x22: {  	v6 =	vld [tilespmem:$0x10200]  }
0x23: {  	v7 =	vld [tilespmem:$0x10210]  }
0x24: {  	v5 =	vld [tilespmem:$0x10220]  }
0x25: {  	v4 =	vld [tilespmem:$0x10230]  }
0x26: {  	v3 =	vld [tilespmem:$0x10240]  }
0x27: {  	v2 =	vld [tilespmem:$0x10250]  }
0x28: {  	v1 =	vld [tilespmem:$0x10260]  }
0x29: {  	v0 =	vld [tilespmem:$0x10270];
	_ =	swait.ge [sflag:s20], $0x4000  }
0x2a: {  	[sflag:s20] =	ssyncset.done $0x0  }
0x2b: {  	s26 =	simm.s32 $0x0;
	[sflag:s20] =	ssyncadd.s32 $0xFFFFC000  }
0x2c: {  	v11 =	vld [tilespmem:s26+$0x200]  }
0x2d: {  	v13 =	vld [tilespmem:s26+$0x210]  }
0x2e: {  	v12 =	vld [tilespmem:s26+$0x220]  }
0x2f: {  	v10 =	vld [tilespmem:s26+$0x230]  }
0x30: {  	v8 =	vld [tilespmem:s26+$0x240]  }
0x31: {  	v9 =	vld [tilespmem:s26+$0x250];
	v14 =	vsub.f32 v11, v6  }
0x32: {  	s28 =	simm.s32 $0x200;
	v13 =	vsub.f32 v13, v7;
	v11 =	vld [tilespmem:s26+$0x260]  }
.LBB2_2:
0x33: {  	s29 =	sshra.s32 s28, $0x2;
	p0 =	sne.s32 s28, $0xFE00;
	[tilespmem:s26+$0x200] =	vst v14;
	v12 =	vsub.f32 v12, v5;
	v14 =	vld [tilespmem:s26+$0x270]  }
0x34: {  	v15 =	vld [tilespmem:s29+$0x200];
	[tilespmem:s26+$0x210] =	vst v13;
	v10 =	vsub.f32 v10, v4  }
0x35: {  	v13 =	vld [tilespmem:s29+$0x210];
	[tilespmem:s26+$0x220] =	vst v12;
	v8 =	vsub.f32 v8, v3  }
.Ltmp0:
0x36: {  	v12 =	vld [tilespmem:s29+$0x220];
	[tilespmem:s26+$0x230] =	vst v10;
	v9 =	vsub.f32 v9, v2;
	(pc) =	sbr.rel @p0 .LBB2_2-.Ltmp0, $4  }
0x37: {  	v10 =	vld [tilespmem:s29+$0x230];
	[tilespmem:s26+$0x240] =	vst v8;
	v11 =	vsub.f32 v11, v1  }
0x38: {  	v8 =	vld [tilespmem:s29+$0x240];
	[tilespmem:s26+$0x250] =	vst v9;
	v16 =	vsub.f32 v14, v0  }
0x39: {  	v14 =	vsub.f32 v15, v6;
	v9 =	vld [tilespmem:s29+$0x250];
	[tilespmem:s26+$0x260] =	vst v11  }
0x3a: {  	s28 =	sadd.s32 $0x200, s28;
	v13 =	vsub.f32 v13, v7;
	v11 =	vld [tilespmem:s29+$0x260];
	[tilespmem:s26+$0x270] =	vst v16;
	s26 =	smov.u32 s29  }
0x3b: {  	[tilespmem:s26+$0x200] =	vst v14;
	v12 =	vsub.f32 v12, v5;
	v14 =	vld [tilespmem:s26+$0x270]  }
0x3c: {  	[tilespmem:s26+$0x210] =	vst v13;
	v10 =	vsub.f32 v10, v4  }
0x3d: {  	[tilespmem:s26+$0x220] =	vst v12;
	v8 =	vsub.f32 v8, v3  }
0x3e: {  	[tilespmem:s26+$0x230] =	vst v10;
	v9 =	vsub.f32 v9, v2  }
0x3f: {  	[tilespmem:s26+$0x240] =	vst v8;
	v8 =	vsub.f32 v11, v1  }
0x40: {  	[tilespmem:s26+$0x250] =	vst v9;
	v9 =	vsub.f32 v14, v0  }
0x41: {  	[tilespmem:s26+$0x260] =	vst v8  }
0x42: {  	s31 =	simm.s32 $0x0;
	[tilespmem:s26+$0x270] =	vst v9  }
0x43: {  	[hbm4b:s5+s31] =	stream.linear.scatter [tilespmem:s13], [sflag:$0x5], $0x4000, $0x38;
	[tilespmem:$0x10280] =	vst v63  }
0x44: {  	_ =	swait.ge [sflag:s21], $0x4000  }
0x45: {  	[sflag:s21] =	ssyncset.done $0x0  }
0x46: {  	s26 =	simm.s32 $0x0;
	[sflag:s21] =	ssyncadd.s32 $0xFFFFC000  }
0x47: {  	v11 =	vld [tilespmem:s26+$0x4200]  }
0x48: {  	v13 =	vld [tilespmem:s26+$0x4210]  }
0x49: {  	v12 =	vld [tilespmem:s26+$0x4220]  }
0x4a: {  	v10 =	vld [tilespmem:s26+$0x4230]  }
0x4b: {  	v8 =	vld [tilespmem:s26+$0x4240]  }
0x4c: {  	v9 =	vld [tilespmem:s26+$0x4250];
	v14 =	vsub.f32 v11, v6  }
0x4d: {  	s28 =	simm.s32 $0x200;
	v13 =	vsub.f32 v13, v7;
	v11 =	vld [tilespmem:s26+$0x4260]  }
.LBB2_4:
0x4e: {  	s29 =	sshra.s32 s28, $0x2;
	p0 =	sne.s32 s28, $0xFE00;
	[tilespmem:s26+$0x4200] =	vst v14;
	v12 =	vsub.f32 v12, v5;
	v14 =	vld [tilespmem:s26+$0x4270]  }
0x4f: {  	v15 =	vld [tilespmem:s29+$0x4200];
	[tilespmem:s26+$0x4210] =	vst v13;
	v10 =	vsub.f32 v10, v4  }
0x50: {  	v13 =	vld [tilespmem:s29+$0x4210];
	[tilespmem:s26+$0x4220] =	vst v12;
	v8 =	vsub.f32 v8, v3  }
.Ltmp1:
0x51: {  	v12 =	vld [tilespmem:s29+$0x4220];
	[tilespmem:s26+$0x4230] =	vst v10;
	v9 =	vsub.f32 v9, v2;
	(pc) =	sbr.rel @p0 .LBB2_4-.Ltmp1, $4  }
0x52: {  	v10 =	vld [tilespmem:s29+$0x4230];
	[tilespmem:s26+$0x4240] =	vst v8;
	v11 =	vsub.f32 v11, v1  }
0x53: {  	v8 =	vld [tilespmem:s29+$0x4240];
	[tilespmem:s26+$0x4250] =	vst v9;
	v16 =	vsub.f32 v14, v0  }
0x54: {  	v14 =	vsub.f32 v15, v6;
	v9 =	vld [tilespmem:s29+$0x4250];
	[tilespmem:s26+$0x4260] =	vst v11  }
0x55: {  	s28 =	sadd.s32 $0x200, s28;
	v13 =	vsub.f32 v13, v7;
	v11 =	vld [tilespmem:s29+$0x4260];
	[tilespmem:s26+$0x4270] =	vst v16;
	s26 =	smov.u32 s29  }
0x56: {  	[tilespmem:s26+$0x4200] =	vst v14;
	v12 =	vsub.f32 v12, v5;
	v14 =	vld [tilespmem:s26+$0x4270]  }
0x57: {  	[tilespmem:s26+$0x4210] =	vst v13;
	v10 =	vsub.f32 v10, v4  }
0x58: {  	[tilespmem:s26+$0x4220] =	vst v12;
	v8 =	vsub.f32 v8, v3  }
0x59: {  	[tilespmem:s26+$0x4230] =	vst v10;
	v9 =	vsub.f32 v9, v2  }
0x5a: {  	[tilespmem:s26+$0x4240] =	vst v8;
	v8 =	vsub.f32 v11, v1  }
0x5b: {  	[tilespmem:s26+$0x4250] =	vst v9;
	v9 =	vsub.f32 v14, v0  }
0x5c: {  	[tilespmem:s26+$0x4260] =	vst v8  }
0x5d: {  	s31 =	simm.s32 $0x0;
	[tilespmem:s26+$0x4270] =	vst v9  }
0x5e: {  	[hbm4b:s7+s31] =	stream.linear.scatter [tilespmem:s14], [sflag:$0x5], $0x4000, $0x38;
	[tilespmem:$0x10280] =	vst v63  }
0x5f: {  	_ =	swait.ge [sflag:s22], $0x4000  }
0x60: {  	[sflag:s22] =	ssyncset.done $0x0  }
0x61: {  	s26 =	simm.s32 $0x0;
	[sflag:s22] =	ssyncadd.s32 $0xFFFFC000  }
0x62: {  	v11 =	vld [tilespmem:s26+$0x8200]  }
0x63: {  	v13 =	vld [tilespmem:s26+$0x8210]  }
0x64: {  	v12 =	vld [tilespmem:s26+$0x8220]  }
0x65: {  	v10 =	vld [tilespmem:s26+$0x8230]  }
0x66: {  	v8 =	vld [tilespmem:s26+$0x8240]  }
0x67: {  	v9 =	vld [tilespmem:s26+$0x8250];
	v14 =	vsub.f32 v11, v6  }
0x68: {  	s28 =	simm.s32 $0x200;
	v13 =	vsub.f32 v13, v7;
	v11 =	vld [tilespmem:s26+$0x8260]  }
.LBB2_6:
0x69: {  	s29 =	sshra.s32 s28, $0x2;
	p0 =	sne.s32 s28, $0xFE00;
	[tilespmem:s26+$0x8200] =	vst v14;
	v12 =	vsub.f32 v12, v5;
	v14 =	vld [tilespmem:s26+$0x8270]  }
0x6a: {  	v15 =	vld [tilespmem:s29+$0x8200];
	[tilespmem:s26+$0x8210] =	vst v13;
	v10 =	vsub.f32 v10, v4  }
0x6b: {  	v13 =	vld [tilespmem:s29+$0x8210];
	[tilespmem:s26+$0x8220] =	vst v12;
	v8 =	vsub.f32 v8, v3  }
.Ltmp2:
0x6c: {  	v12 =	vld [tilespmem:s29+$0x8220];
	[tilespmem:s26+$0x8230] =	vst v10;
	v9 =	vsub.f32 v9, v2;
	(pc) =	sbr.rel @p0 .LBB2_6-.Ltmp2, $4  }
0x6d: {  	v10 =	vld [tilespmem:s29+$0x8230];
	[tilespmem:s26+$0x8240] =	vst v8;
	v11 =	vsub.f32 v11, v1  }
0x6e: {  	v8 =	vld [tilespmem:s29+$0x8240];
	[tilespmem:s26+$0x8250] =	vst v9;
	v16 =	vsub.f32 v14, v0  }
0x6f: {  	v14 =	vsub.f32 v15, v6;
	v9 =	vld [tilespmem:s29+$0x8250];
	[tilespmem:s26+$0x8260] =	vst v11  }
0x70: {  	s28 =	sadd.s32 $0x200, s28;
	v13 =	vsub.f32 v13, v7;
	v11 =	vld [tilespmem:s29+$0x8260];
	[tilespmem:s26+$0x8270] =	vst v16;
	s26 =	smov.u32 s29  }
0x71: {  	[tilespmem:s26+$0x8200] =	vst v14;
	v12 =	vsub.f32 v12, v5;
	v14 =	vld [tilespmem:s26+$0x8270]  }
0x72: {  	[tilespmem:s26+$0x8210] =	vst v13;
	v10 =	vsub.f32 v10, v4  }
0x73: {  	[tilespmem:s26+$0x8220] =	vst v12;
	v8 =	vsub.f32 v8, v3  }
0x74: {  	[tilespmem:s26+$0x8230] =	vst v10;
	v9 =	vsub.f32 v9, v2  }
0x75: {  	[tilespmem:s26+$0x8240] =	vst v8;
	v8 =	vsub.f32 v11, v1  }
0x76: {  	[tilespmem:s26+$0x8250] =	vst v9;
	v9 =	vsub.f32 v14, v0  }
0x77: {  	[tilespmem:s26+$0x8260] =	vst v8  }
0x78: {  	s31 =	simm.s32 $0x0;
	[tilespmem:s26+$0x8270] =	vst v9  }
0x79: {  	[hbm4b:s8+s31] =	stream.linear.scatter [tilespmem:s16], [sflag:$0x5], $0x4000, $0x38;
	[tilespmem:$0x10280] =	vst v63  }
0x7a: {  	_ =	swait.ge [sflag:s23], $0x4000  }
0x7b: {  	[sflag:s23] =	ssyncset.done $0x0  }
0x7c: {  	s26 =	simm.s32 $0x0;
	[sflag:s23] =	ssyncadd.s32 $0xFFFFC000  }
0x7d: {  	v11 =	vld [tilespmem:s26+$0xC200]  }
0x7e: {  	v13 =	vld [tilespmem:s26+$0xC210]  }
0x7f: {  	v12 =	vld [tilespmem:s26+$0xC220]  }
0x80: {  	v10 =	vld [tilespmem:s26+$0xC230]  }
0x81: {  	v8 =	vld [tilespmem:s26+$0xC240]  }
0x82: {  	v9 =	vld [tilespmem:s26+$0xC250];
	v14 =	vsub.f32 v11, v6  }
0x83: {  	s28 =	simm.s32 $0x200;
	v13 =	vsub.f32 v13, v7;
	v11 =	vld [tilespmem:s26+$0xC260]  }
.LBB2_8:
0x84: {  	s29 =	sshra.s32 s28, $0x2;
	p0 =	sne.s32 s28, $0xFE00;
	[tilespmem:s26+$0xC200] =	vst v14;
	v12 =	vsub.f32 v12, v5;
	v14 =	vld [tilespmem:s26+$0xC270]  }
0x85: {  	v15 =	vld [tilespmem:s29+$0xC200];
	[tilespmem:s26+$0xC210] =	vst v13;
	v10 =	vsub.f32 v10, v4  }
0x86: {  	v13 =	vld [tilespmem:s29+$0xC210];
	[tilespmem:s26+$0xC220] =	vst v12;
	v8 =	vsub.f32 v8, v3  }
.Ltmp3:
0x87: {  	v12 =	vld [tilespmem:s29+$0xC220];
	[tilespmem:s26+$0xC230] =	vst v10;
	v9 =	vsub.f32 v9, v2;
	(pc) =	sbr.rel @p0 .LBB2_8-.Ltmp3, $4  }
0x88: {  	v10 =	vld [tilespmem:s29+$0xC230];
	[tilespmem:s26+$0xC240] =	vst v8;
	v11 =	vsub.f32 v11, v1  }
0x89: {  	v8 =	vld [tilespmem:s29+$0xC240];
	[tilespmem:s26+$0xC250] =	vst v9;
	v16 =	vsub.f32 v14, v0  }
0x8a: {  	v14 =	vsub.f32 v15, v6;
	v9 =	vld [tilespmem:s29+$0xC250];
	[tilespmem:s26+$0xC260] =	vst v11  }
0x8b: {  	s28 =	sadd.s32 $0x200, s28;
	v13 =	vsub.f32 v13, v7;
	v11 =	vld [tilespmem:s29+$0xC260];
	[tilespmem:s26+$0xC270] =	vst v16;
	s26 =	smov.u32 s29  }
0x8c: {  	[tilespmem:s26+$0xC200] =	vst v14;
	v5 =	vsub.f32 v12, v5;
	v6 =	vld [tilespmem:s26+$0xC270]  }
0x8d: {  	[tilespmem:s26+$0xC210] =	vst v13;
	v4 =	vsub.f32 v10, v4  }
0x8e: {  	[tilespmem:s26+$0xC220] =	vst v5;
	v3 =	vsub.f32 v8, v3  }
0x8f: {  	[tilespmem:s26+$0xC230] =	vst v4;
	v2 =	vsub.f32 v9, v2  }
0x90: {  	[tilespmem:s26+$0xC240] =	vst v3;
	v1 =	vsub.f32 v11, v1  }
0x91: {  	[tilespmem:s26+$0xC250] =	vst v2;
	v0 =	vsub.f32 v6, v0  }
0x92: {  	[tilespmem:s26+$0xC260] =	vst v1  }
0x93: {  	[tilespmem:s26+$0xC270] =	vst v0  }
0x94: {  	[hbm4b:s9+s3] =	stream.linear.scatter [tilespmem:s18], [sflag:$0x5], $0x4000, $0x38;
	[tilespmem:$0x10280] =	vst v63  }
0x95: {  	_ =	swait.ge [sflag:s24], $0x4000  }
0x96: {  	[sflag:s24] =	ssyncset.done $0x0  }
0x97: {  	[sflag:s24] =	ssyncadd.s32 $0xFFFFC000  }
0x98: {  	_ =	swait.ge [sflag:s24], $0x4000  }
0x99: {  	[sflag:s24] =	ssyncset.done $0x0  }
0x9a: {  	s25 =	sadd.s32 $0x1, s25;
	[sflag:s24] =	ssyncadd.s32 $0xFFFFC000  }
0x9b: {  	p0 =	sne.s32 s25, s10;
	_ =	swait.ge [sflag:s24], $0x4000  }
.Ltmp4:
0x9c: {  	[sflag:s24] =	ssyncset.done $0x0;
	(pc) =	sbr.rel @p0 .LBB2_1-.Ltmp4, $4  }
0x9d: {  	[sflag:s24] =	ssyncadd.s32 $0xFFFFC000  }
0x9e: {  	_ =	swait.ge [sflag:s24], $0x4000  }
0x9f: {  	[sflag:s24] =	ssyncset.done $0x0  }
0xa0: {  	[sflag:s24] =	ssyncadd.s32 $0xFFFFC000  }
0xa1: {  	_ =	sfence.sel $0x180000  }
0xa2: {  	[bflag:$0x0] =	sbarrier.arrive $0xFFFF  }
0xa3: {  	p0 =	sne.s32 s2, $0x0;
	_ =	strace $0x90000047  }
0xa4: {  	s0 =	sadd.s32 @!p0 $0x100000, s0;
	[bflag:$0x2] =	sbarrier.arrive $0xFFFF  }
0xa5: {  	[sflag:s0] =	ssyncadd.tile.s32 @!p0 $0x1;
	_ =	shalt  }
.Lfunc_end2:
_tile_overlayer_lowered:
.L_overlay_start_2:
0xa6: {  	(tag) =	ssettag $0x2  }
0xa7: {  	s0 =	rddreg [dreg:$0x0];
	s2 =	stileid.u32  }
0xa8: {  	s1 =	rddreg [dreg:$0x1];
	p0 =	sne.s32 s2, $0x0  }
0xa9: {  	s3 =	rddreg [dreg:$0x2];
	[bflag:$0x3] =	sbarrier.arrive $0xFFFF;
	s2 =	simm.s32 @!p0 $0x1C06  }
0xaa: {  	[timem:s3], [sflag:s2] =	dma.local @!p0 [hbm:s0], s1  }
0xab: {  	s0 =	simm.s32 @!p0 $0x6  }
0xac: {  	_ =	swait.ge @!p0 [sflag:s0], s1  }
0xad: {  	s1 =	ssub.s32 @!p0 $0x0, s1;
	[sflag:s0] =	ssyncset.done @!p0 $0x0  }
0xae: {  	[sflag:s0] =	ssyncadd.s32 @!p0 s1  }
0xaf: {  	[bflag:$0x3] =	sbarrier.arrive $0xFFFF  }
0xb0: {  	_ =	shalt  }

</sc_bundles>
